<compile_context>
chip_gen: v7x
topology: tpu7x:2x2x1
jax: 0.10.2.dev20260603
libtpu: 0.0.44.dev20260713+nightly
codegen_flags: <defaults>
</compile_context>

<pallas_src>
import functools

import jax
import jax.numpy as jnp
from jax import lax
from jax.experimental import pallas as pl
from jax.experimental.pallas import tpu as pltpu
from jax.experimental.pallas import tpu_sc as plsc

B = 4096
L = 200
EMB = 64
NC = 2
NS = 16
NW = NC * NS
BPW = B // NW
IPW = BPW * L
C0 = 104
C1 = L - C0


_UNROLL = 8


def _sc_pool_body(x_hbm, table_hbm, out_hbm, xv, rows0, rows1, acc, sem0,
                  sem1):
  cid = lax.axis_index("c")
  sid = lax.axis_index("s")
  wid = sid * NC + cid

  pltpu.sync_copy(x_hbm.at[pl.ds(wid * IPW, IPW)], xv)

  def dbl(i, _):
    xv[pl.ds(i * 16, 16)] = xv[pl.ds(i * 16, 16)] * 2
    return 0

  lax.fori_loop(0, IPW // 16, dbl, 0)

  def fire(r, buf, sem):
    off = r * L
    pltpu.async_copy(
        table_hbm.at[xv.at[pl.ds(off, C0)]], buf.at[pl.ds(0, C0)], sem)
    pltpu.async_copy(
        table_hbm.at[xv.at[pl.ds(off + C0, C1)]], buf.at[pl.ds(C0, C1)], sem)

  def drain(buf, sem):
    pltpu.make_async_copy(
        table_hbm.at[xv.at[pl.ds(0, C0)]], buf.at[pl.ds(0, C0)], sem).wait()
    pltpu.make_async_copy(
        table_hbm.at[xv.at[pl.ds(0, C1)]], buf.at[pl.ds(C0, C1)], sem).wait()

  def reduce_into(r, buf):
    def red(i, carry):
      a0, a1, a2, a3 = carry
      base = i * _UNROLL
      for u in range(_UNROLL):
        a0 = a0 + buf[base + u, pl.ds(0, 16)]
        a1 = a1 + buf[base + u, pl.ds(16, 16)]
        a2 = a2 + buf[base + u, pl.ds(32, 16)]
        a3 = a3 + buf[base + u, pl.ds(48, 16)]
      return (a0, a1, a2, a3)

    z = jnp.zeros((16,), jnp.float32)
    a0, a1, a2, a3 = lax.fori_loop(0, L // _UNROLL, red, (z, z, z, z))
    acc[r, pl.ds(0, 16)] = a0
    acc[r, pl.ds(16, 16)] = a1
    acc[r, pl.ds(32, 16)] = a2
    acc[r, pl.ds(48, 16)] = a3

  fire(0, rows0, sem0)
  fire(1, rows1, sem1)

  def pipe_body(k, _):
    r = 2 * k
    drain(rows0, sem0)
    reduce_into(r, rows0)
    fire(r + 2, rows0, sem0)
    drain(rows1, sem1)
    reduce_into(r + 1, rows1)
    fire(r + 3, rows1, sem1)
    return 0

  lax.fori_loop(0, BPW // 2 - 1, pipe_body, 0)
  drain(rows0, sem0)
  reduce_into(BPW - 2, rows0)
  drain(rows1, sem1)
  reduce_into(BPW - 1, rows1)

  pltpu.sync_copy(acc, out_hbm.at[pl.ds(wid * BPW, BPW)])


_sc_pool = pl.kernel(
    _sc_pool_body,
    out_type=jax.ShapeDtypeStruct((B, EMB), jnp.float32),
    mesh=plsc.VectorSubcoreMesh(
        core_axis_name="c", subcore_axis_name="s", num_cores=NC,
        num_subcores=NS),
    scratch_types=[
        pltpu.VMEM((IPW,), jnp.int32),
        pltpu.VMEM((L, EMB), jnp.float32),
        pltpu.VMEM((L, EMB), jnp.float32),
        pltpu.VMEM((BPW, EMB), jnp.float32),
        pltpu.SemaphoreType.DMA,
        pltpu.SemaphoreType.DMA,
    ],
    compiler_params=pltpu.CompilerParams(use_tc_tiling_on_sc=False),
)


_DT_BC = 4096


def _tc_detile_body(t_ref, o_ref):
  t = jnp.transpose(t_ref[...], (1, 0))
  o_ref[...] = jnp.concatenate(
      [t, jnp.zeros((_DT_BC, EMB), jnp.float32)], axis=1)


def _tc_detile(tab_t):
  vocab = tab_t.shape[1]
  grid = (vocab + _DT_BC - 1) // _DT_BC
  return pl.pallas_call(
      _tc_detile_body,
      grid=(grid,),
      in_specs=[pl.BlockSpec((EMB, _DT_BC), lambda i: (0, i))],
      out_specs=pl.BlockSpec((_DT_BC, 2 * EMB), lambda i: (i, 0)),
      out_shape=jax.ShapeDtypeStruct((vocab, 2 * EMB), jnp.float32),
  )(tab_t)


def _tc_linear_body(s_ref, w_ref, b_ref, o_ref):
  s = s_ref[...]
  o = lax.dot_general(s, w_ref[...], (((1,), (1,)), ((), ())),
                      preferred_element_type=jnp.float32)
  o_ref[...] = jnp.maximum(o * (1.0 / L) + b_ref[...], 0.0)


_TC_BLK = 512
_tc_linear = pl.pallas_call(
    _tc_linear_body,
    grid=(B // _TC_BLK,),
    in_specs=[
        pl.BlockSpec((_TC_BLK, EMB), lambda i: (i, 0)),
        pl.BlockSpec((EMB, EMB), lambda i: (0, 0)),
        pl.BlockSpec((1, EMB), lambda i: (0, 0)),
    ],
    out_specs=pl.BlockSpec((_TC_BLK, EMB), lambda i: (i, 0)),
    out_shape=jax.ShapeDtypeStruct((B, EMB), jnp.float32),
)


@jax.jit
def kernel(x, table, W, b):
  x_flat = x.reshape(-1).astype(jnp.int32)
  tp = _tc_detile(table.T)
  tp2 = tp.reshape(2 * tp.shape[0], EMB)
  sums = _sc_pool(x_flat, tp2)
  return _tc_linear(sums, W, b.reshape(1, EMB))

# --- scband reference (transcript-rebuilt; emitter-appended) ---
"""Pipeline reference for scband-genomic-feature-embedding-15255723836182 (READ-ONLY COPY).

The authoritative reference and input builder live on the scoring server;
editing this copy changes nothing except your own understanding.
"""

import jax, jax.numpy as jnp
import numpy as np

VOCAB = 1000000
EMB = 64
B = 4096
L = 200

def setup_inputs(seed: int = 0) -> dict:
    key = jax.random.key(seed)
    k1, k2, k3, k4 = jax.random.split(key, 4)
    x = jax.random.randint(k1, (B, L), 0, VOCAB, dtype=jnp.int64 if jax.config.jax_enable_x64 else jnp.int32)
    table = jax.random.normal(k2, (VOCAB, EMB), dtype=jnp.float32)
    W = jax.random.normal(k3, (EMB, EMB), dtype=jnp.float32) * (1.0 / np.sqrt(EMB))
    b = jax.random.normal(k4, (EMB,), dtype=jnp.float32) * 0.01
    return {"x": x, "table": table, "W": W, "b": b}

def reference(x, table, W, b):
    # nn.Embedding lookup -> gather
    emb = jnp.take(table, x, axis=0)          # [B, L, EMB]
    pooled = jnp.mean(emb, axis=1)            # [B, EMB]
    out = jax.nn.relu(pooled @ W.T + b)       # nn.Linear: x @ W.T + b, then relu
    return out

if __name__ == "__main__":
    import jax
    _d = setup_inputs()
    print(jax.jit(kernel)(*tuple(_d.values())))

</pallas_src>

<mosaic_0001>
#map = affine_map<(d0, d1) -> (0)>
#map1 = affine_map<(d0, d1) -> (0, 0)>
module attributes {stable_mosaic.version = 14 : i64} {
  func.func @_sc_pool_body(%arg0: i32, %arg1: i32, %arg2: memref<819200xi32, #tpu.memory_space<hbm>>, %arg3: memref<2000000x64xf32, #tpu.memory_space<hbm>>, %arg4: memref<4096x64xf32, #tpu.memory_space<hbm>>, %arg5: memref<25600xi32, #tpu.memory_space<vmem>>, %arg6: memref<200x64xf32, #tpu.memory_space<vmem>>, %arg7: memref<200x64xf32, #tpu.memory_space<vmem>>, %arg8: memref<128x64xf32, #tpu.memory_space<vmem>>, %arg9: memref<!tpu.dma_semaphore, #tpu.memory_space<semaphore_mem>>, %arg10: memref<!tpu.dma_semaphore, #tpu.memory_space<semaphore_mem>>) attributes {dimension_semantics = [#tpu.dimension_semantics<core_parallel>, #tpu.dimension_semantics<subcore_parallel>], iteration_bounds = array<i64: 2, 16>, scalar_prefetch = 0 : i64, scratch_operands = 6 : i64, tpu.core_type = #tpu.core_type<sc_vector_subcore>, window_params = [{transform_indices = #map}, {transform_indices = #map1}, {transform_indices = #map1}]} {
    %mul3A = arith.constant 2 : i32
    %mul3A_0 = arith.muli %arg1, %mul3A : i32
    %add3A = arith.addi %mul3A_0, %arg0 : i32
    %mul3A_1 = arith.constant 25600 : i32
    %mul3A_2 = arith.muli %add3A, %mul3A_1 : i32
    "tpu.region"() ({
      %run_scoped3A = tpu.sem_alloc : memref<!tpu.dma_semaphore, #tpu.memory_space<semaphore_mem>>
      %dma_start3A_142 = tpu.memref_slice %arg2[%mul3A_2] : memref<819200xi32, #tpu.memory_space<hbm>> -> memref<25600xi32, #tpu.memory_space<hbm>>
      %dma_start3A_143 = tpu.memref_slice %arg2[%mul3A_2] : memref<819200xi32, #tpu.memory_space<hbm>> -> memref<25600xi32, #tpu.memory_space<hbm>>
      tpu.enqueue_dma source(%dma_start3A_143 : memref<25600xi32, #tpu.memory_space<hbm>>) target(%arg5 : memref<25600xi32, #tpu.memory_space<vmem>>) target_semaphore(%run_scoped3A : memref<!tpu.dma_semaphore, #tpu.memory_space<semaphore_mem>>)
      %dma_wait3A_144 = tpu.memref_slice %arg2[%mul3A_2] : memref<819200xi32, #tpu.memory_space<hbm>> -> memref<25600xi32, #tpu.memory_space<hbm>>
      %dma_wait3A_145 = tpu.memref_slice %arg2[%mul3A_2] : memref<819200xi32, #tpu.memory_space<hbm>> -> memref<25600xi32, #tpu.memory_space<hbm>>
      tpu.wait_dma2 semaphore(%run_scoped3A : memref<!tpu.dma_semaphore, #tpu.memory_space<semaphore_mem>>) src(%dma_wait3A_145 : memref<25600xi32, #tpu.memory_space<hbm>>) dst(%arg5 : memref<25600xi32, #tpu.memory_space<vmem>>)
      tpu.yield
    }) : () -> ()
    %scan3A = arith.constant 0 : i32
    %scan3A_3 = arith.constant 0 : i32
    %scan3A_4 = arith.constant 1600 : i32
    %scan3A_5 = arith.addi %scan3A_3, %scan3A_4 : i32
    %scan3A_6 = arith.constant 1 : i32
    %scan3A_7 = scf.for %scan3A_142 = %scan3A_3 to %scan3A_5 step %scan3A_6 iter_args(%scan3A_143 = %scan3A) -> (i32)  : i32 {
      %mul3A_144 = arith.constant 16 : i32
      %mul3A_145 = arith.muli %scan3A_142, %mul3A_144 : i32
      %get3A = arith.index_cast %mul3A_145 : i32 to index
      %get3A_146 = tpu.vector_load %arg5[%get3A] {strides = array<i32>} : memref<25600xi32, #tpu.memory_space<vmem>>, vector<16xi32>,
      %get3A_147 = vector.shape_cast %get3A_146 : vector<16xi32> to vector<16xi32>
      %mul3A_148 = arith.constant 2 : i32
      %mul3A_149 = vector.broadcast %mul3A_148 : i32 to vector<16xi32>
      %mul3A_150 = arith.muli %get3A_147, %mul3A_149 : vector<16xi32>
      %mul3A_151 = arith.constant 16 : i32
      %mul3A_152 = arith.muli %scan3A_142, %mul3A_151 : i32
      %swap3A_153 = arith.index_cast %mul3A_152 : i32 to index
      %swap3A_154 = tpu.vector_load %arg5[%swap3A_153] {strides = array<i32>} : memref<25600xi32, #tpu.memory_space<vmem>>, vector<16xi32>,
      %swap3A_155 = vector.shape_cast %swap3A_154 : vector<16xi32> to vector<16xi32>
      %swap3A_156 = vector.shape_cast %mul3A_150 : vector<16xi32> to vector<16xi32>
      tpu.vector_store %arg5[%swap3A_153], %swap3A_156 {strides = array<i32>} : memref<25600xi32, #tpu.memory_space<vmem>>, vector<16xi32>,
      %scan3A_157 = arith.constant 0 : i32
      scf.yield %scan3A_157 : i32
    }
    %scan3A_8 = arith.constant 1600 : i32
    %dma_start3A = arith.constant 0 : i32
    %dma_start3A_9 = arith.constant 0 : i32
    %dma_start3A_10 = tpu.memref_slice %arg6[%dma_start3A, %dma_start3A_9] : memref<200x64xf32, #tpu.memory_space<vmem>> -> memref<104x64xf32, #tpu.memory_space<vmem>>
    %dma_start3A_11 = arith.constant 0 : i32
    %dma_start3A_12 = tpu.memref_slice %arg5[%dma_start3A_11] : memref<25600xi32, #tpu.memory_space<vmem>> -> memref<104xi32, #tpu.memory_space<vmem>>
    %dma_start3A_13 = arith.constant 0 : i32
    %dma_start3A_14 = arith.constant 0 : i32
    %dma_start3A_15 = tpu.memref_slice %arg3[%dma_start3A_13, %dma_start3A_14] : memref<2000000x64xf32, #tpu.memory_space<hbm>> -> memref<2000000x64xf32, #tpu.memory_space<hbm>>
    tpu.enqueue_indirect_dma source(%dma_start3A_15 : memref<2000000x64xf32, #tpu.memory_space<hbm>>) target(%dma_start3A_10 : memref<104x64xf32, #tpu.memory_space<vmem>>) offsets(%dma_start3A_12 : memref<104xi32, #tpu.memory_space<vmem>>) semaphore(%arg9 : memref<!tpu.dma_semaphore, #tpu.memory_space<semaphore_mem>>)
    %dma_start3A_16 = arith.constant 104 : i32
    %dma_start3A_17 = arith.constant 0 : i32
    %dma_start3A_18 = tpu.memref_slice %arg6[%dma_start3A_16, %dma_start3A_17] : memref<200x64xf32, #tpu.memory_space<vmem>> -> memref<96x64xf32, #tpu.memory_space<vmem>>
    %dma_start3A_19 = arith.constant 104 : i32
    %dma_start3A_20 = tpu.memref_slice %arg5[%dma_start3A_19] : memref<25600xi32, #tpu.memory_space<vmem>> -> memref<96xi32, #tpu.memory_space<vmem>>
    %dma_start3A_21 = arith.constant 0 : i32
    %dma_start3A_22 = arith.constant 0 : i32
    %dma_start3A_23 = tpu.memref_slice %arg3[%dma_start3A_21, %dma_start3A_22] : memref<2000000x64xf32, #tpu.memory_space<hbm>> -> memref<2000000x64xf32, #tpu.memory_space<hbm>>
    tpu.enqueue_indirect_dma source(%dma_start3A_23 : memref<2000000x64xf32, #tpu.memory_space<hbm>>) target(%dma_start3A_18 : memref<96x64xf32, #tpu.memory_space<vmem>>) offsets(%dma_start3A_20 : memref<96xi32, #tpu.memory_space<vmem>>) semaphore(%arg9 : memref<!tpu.dma_semaphore, #tpu.memory_space<semaphore_mem>>)
    %dma_start3A_24 = arith.constant 0 : i32
    %dma_start3A_25 = arith.constant 0 : i32
    %dma_start3A_26 = tpu.memref_slice %arg7[%dma_start3A_24, %dma_start3A_25] : memref<200x64xf32, #tpu.memory_space<vmem>> -> memref<104x64xf32, #tpu.memory_space<vmem>>
    %dma_start3A_27 = arith.constant 200 : i32
    %dma_start3A_28 = tpu.memref_slice %arg5[%dma_start3A_27] : memref<25600xi32, #tpu.memory_space<vmem>> -> memref<104xi32, #tpu.memory_space<vmem>>
    %dma_start3A_29 = arith.constant 0 : i32
    %dma_start3A_30 = arith.constant 0 : i32
    %dma_start3A_31 = tpu.memref_slice %arg3[%dma_start3A_29, %dma_start3A_30] : memref<2000000x64xf32, #tpu.memory_space<hbm>> -> memref<2000000x64xf32, #tpu.memory_space<hbm>>
    tpu.enqueue_indirect_dma source(%dma_start3A_31 : memref<2000000x64xf32, #tpu.memory_space<hbm>>) target(%dma_start3A_26 : memref<104x64xf32, #tpu.memory_space<vmem>>) offsets(%dma_start3A_28 : memref<104xi32, #tpu.memory_space<vmem>>) semaphore(%arg10 : memref<!tpu.dma_semaphore, #tpu.memory_space<semaphore_mem>>)
    %dma_start3A_32 = arith.constant 104 : i32
    %dma_start3A_33 = arith.constant 0 : i32
    %dma_start3A_34 = tpu.memref_slice %arg7[%dma_start3A_32, %dma_start3A_33] : memref<200x64xf32, #tpu.memory_space<vmem>> -> memref<96x64xf32, #tpu.memory_space<vmem>>
    %dma_start3A_35 = arith.constant 304 : i32
    %dma_start3A_36 = tpu.memref_slice %arg5[%dma_start3A_35] : memref<25600xi32, #tpu.memory_space<vmem>> -> memref<96xi32, #tpu.memory_space<vmem>>
    %dma_start3A_37 = arith.constant 0 : i32
    %dma_start3A_38 = arith.constant 0 : i32
    %dma_start3A_39 = tpu.memref_slice %arg3[%dma_start3A_37, %dma_start3A_38] : memref<2000000x64xf32, #tpu.memory_space<hbm>> -> memref<2000000x64xf32, #tpu.memory_space<hbm>>
    tpu.enqueue_indirect_dma source(%dma_start3A_39 : memref<2000000x64xf32, #tpu.memory_space<hbm>>) target(%dma_start3A_34 : memref<96x64xf32, #tpu.memory_space<vmem>>) offsets(%dma_start3A_36 : memref<96xi32, #tpu.memory_space<vmem>>) semaphore(%arg10 : memref<!tpu.dma_semaphore, #tpu.memory_space<semaphore_mem>>)
    %scan3A_40 = arith.constant 0 : i32
    %scan3A_41 = arith.constant 0 : i32
    %scan3A_42 = arith.constant 63 : i32
    %scan3A_43 = arith.addi %scan3A_41, %scan3A_42 : i32
    %scan3A_44 = arith.constant 1 : i32
    %scan3A_45 = scf.for %scan3A_142 = %scan3A_41 to %scan3A_43 step %scan3A_44 iter_args(%scan3A_143 = %scan3A_40) -> (i32)  : i32 {
      %mul3A_144 = arith.constant 2 : i32
      %mul3A_145 = arith.muli %mul3A_144, %scan3A_142 : i32
      %dma_wait3A_146 = arith.constant 0 : i32
      %dma_wait3A_147 = arith.constant 0 : i32
      %dma_wait3A_148 = tpu.memref_slice %arg6[%dma_wait3A_146, %dma_wait3A_147] : memref<200x64xf32, #tpu.memory_space<vmem>> -> memref<104x64xf32, #tpu.memory_space<vmem>>
      %dma_wait3A_149 = arith.constant 0 : i32
      %dma_wait3A_150 = tpu.memref_slice %arg5[%dma_wait3A_149] : memref<25600xi32, #tpu.memory_space<vmem>> -> memref<104xi32, #tpu.memory_space<vmem>>
      %dma_wait3A_151 = arith.constant 0 : i32
      %dma_wait3A_152 = arith.constant 0 : i32
      %dma_wait3A_153 = tpu.memref_slice %arg3[%dma_wait3A_151, %dma_wait3A_152] : memref<2000000x64xf32, #tpu.memory_space<hbm>> -> memref<2000000x64xf32, #tpu.memory_space<hbm>>
      tpu.wait_indirect_dma semaphore(%arg9 : memref<!tpu.dma_semaphore, #tpu.memory_space<semaphore_mem>>) src(%dma_wait3A_153 : memref<2000000x64xf32, #tpu.memory_space<hbm>>) dst(%dma_wait3A_148 : memref<104x64xf32, #tpu.memory_space<vmem>>)
      %dma_wait3A_154 = arith.constant 104 : i32
      %dma_wait3A_155 = arith.constant 0 : i32
      %dma_wait3A_156 = tpu.memref_slice %arg6[%dma_wait3A_154, %dma_wait3A_155] : memref<200x64xf32, #tpu.memory_space<vmem>> -> memref<96x64xf32, #tpu.memory_space<vmem>>
      %dma_wait3A_157 = arith.constant 0 : i32
      %dma_wait3A_158 = tpu.memref_slice %arg5[%dma_wait3A_157] : memref<25600xi32, #tpu.memory_space<vmem>> -> memref<96xi32, #tpu.memory_space<vmem>>
      %dma_wait3A_159 = arith.constant 0 : i32
      %dma_wait3A_160 = arith.constant 0 : i32
      %dma_wait3A_161 = tpu.memref_slice %arg3[%dma_wait3A_159, %dma_wait3A_160] : memref<2000000x64xf32, #tpu.memory_space<hbm>> -> memref<2000000x64xf32, #tpu.memory_space<hbm>>
      tpu.wait_indirect_dma semaphore(%arg9 : memref<!tpu.dma_semaphore, #tpu.memory_space<semaphore_mem>>) src(%dma_wait3A_161 : memref<2000000x64xf32, #tpu.memory_space<hbm>>) dst(%dma_wait3A_156 : memref<96x64xf32, #tpu.memory_space<vmem>>)
      %broadcast_in_dim3A_162 = arith.constant 0.000000e+00 : f32
      %broadcast_in_dim3A_163 = vector.broadcast %broadcast_in_dim3A_162 : f32 to vector<16xf32>
      %scan3A_164 = arith.constant 0 : i32
      %scan3A_165 = arith.constant 25 : i32
      %scan3A_166 = arith.addi %scan3A_164, %scan3A_165 : i32
      %scan3A_167 = arith.constant 1 : i32
      %scan3A_168:4 = scf.for %scan3A_277 = %scan3A_164 to %scan3A_166 step %scan3A_167 iter_args(%scan3A_278 = %broadcast_in_dim3A_163, %scan3A_279 = %broadcast_in_dim3A_163, %scan3A_280 = %broadcast_in_dim3A_163, %scan3A_281 = %broadcast_in_dim3A_163) -> (vector<16xf32>, vector<16xf32>, vector<16xf32>, vector<16xf32>)  : i32 {
        %mul3A_282 = arith.constant 8 : i32
        %mul3A_283 = arith.muli %scan3A_277, %mul3A_282 : i32
        %add3A_284 = arith.constant 0 : i32
        %add3A_285 = arith.addi %mul3A_283, %add3A_284 : i32
        %get3A = arith.index_cast %add3A_285 : i32 to index
        %get3A_286 = arith.constant 0 : index
        %get3A_287 = tpu.vector_load %arg6[%get3A, %get3A_286] {strides = array<i32>} : memref<200x64xf32, #tpu.memory_space<vmem>>, vector<1x16xf32>,
        %get3A_288 = vector.shape_cast %get3A_287 : vector<1x16xf32> to vector<16xf32>
        %add3A_289 = arith.addf %scan3A_278, %get3A_288 : vector<16xf32>
        %add3A_290 = arith.constant 0 : i32
        %add3A_291 = arith.addi %mul3A_283, %add3A_290 : i32
        %get3A_292 = arith.index_cast %add3A_291 : i32 to index
        %get3A_293 = arith.constant 16 : index
        %get3A_294 = tpu.vector_load %arg6[%get3A_292, %get3A_293] {strides = array<i32>} : memref<200x64xf32, #tpu.memory_space<vmem>>, vector<1x16xf32>,
        %get3A_295 = vector.shape_cast %get3A_294 : vector<1x16xf32> to vector<16xf32>
        %add3A_296 = arith.addf %scan3A_279, %get3A_295 : vector<16xf32>
        %add3A_297 = arith.constant 0 : i32
        %add3A_298 = arith.addi %mul3A_283, %add3A_297 : i32
        %get3A_299 = arith.index_cast %add3A_298 : i32 to index
        %get3A_300 = arith.constant 32 : index
        %get3A_301 = tpu.vector_load %arg6[%get3A_299, %get3A_300] {strides = array<i32>} : memref<200x64xf32, #tpu.memory_space<vmem>>, vector<1x16xf32>,
        %get3A_302 = vector.shape_cast %get3A_301 : vector<1x16xf32> to vector<16xf32>
        %add3A_303 = arith.addf %scan3A_280, %get3A_302 : vector<16xf32>
        %add3A_304 = arith.constant 0 : i32
        %add3A_305 = arith.addi %mul3A_283, %add3A_304 : i32
        %get3A_306 = arith.index_cast %add3A_305 : i32 to index
        %get3A_307 = arith.constant 48 : index
        %get3A_308 = tpu.vector_load %arg6[%get3A_306, %get3A_307] {strides = array<i32>} : memref<200x64xf32, #tpu.memory_space<vmem>>, vector<1x16xf32>,
        %get3A_309 = vector.shape_cast %get3A_308 : vector<1x16xf32> to vector<16xf32>
        %add3A_310 = arith.addf %scan3A_281, %get3A_309 : vector<16xf32>
        %add3A_311 = arith.constant 1 : i32
        %add3A_312 = arith.addi %mul3A_283, %add3A_311 : i32
        %get3A_313 = arith.index_cast %add3A_312 : i32 to index
        %get3A_314 = arith.constant 0 : index
        %get3A_315 = tpu.vector_load %arg6[%get3A_313, %get3A_314] {strides = array<i32>} : memref<200x64xf32, #tpu.memory_space<vmem>>, vector<1x16xf32>,
        %get3A_316 = vector.shape_cast %get3A_315 : vector<1x16xf32> to vector<16xf32>
        %add3A_317 = arith.addf %add3A_289, %get3A_316 : vector<16xf32>
        %add3A_318 = arith.constant 1 : i32
        %add3A_319 = arith.addi %mul3A_283, %add3A_318 : i32
        %get3A_320 = arith.index_cast %add3A_319 : i32 to index
        %get3A_321 = arith.constant 16 : index
        %get3A_322 = tpu.vector_load %arg6[%get3A_320, %get3A_321] {strides = array<i32>} : memref<200x64xf32, #tpu.memory_space<vmem>>, vector<1x16xf32>,
        %get3A_323 = vector.shape_cast %get3A_322 : vector<1x16xf32> to vector<16xf32>
        %add3A_324 = arith.addf %add3A_296, %get3A_323 : vector<16xf32>
        %add3A_325 = arith.constant 1 : i32
        %add3A_326 = arith.addi %mul3A_283, %add3A_325 : i32
        %get3A_327 = arith.index_cast %add3A_326 : i32 to index
        %get3A_328 = arith.constant 32 : index
        %get3A_329 = tpu.vector_load %arg6[%get3A_327, %get3A_328] {strides = array<i32>} : memref<200x64xf32, #tpu.memory_space<vmem>>, vector<1x16xf32>,
        %get3A_330 = vector.shape_cast %get3A_329 : vector<1x16xf32> to vector<16xf32>
        %add3A_331 = arith.addf %add3A_303, %get3A_330 : vector<16xf32>
        %add3A_332 = arith.constant 1 : i32
        %add3A_333 = arith.addi %mul3A_283, %add3A_332 : i32
        %get3A_334 = arith.index_cast %add3A_333 : i32 to index
        %get3A_335 = arith.constant 48 : index
        %get3A_336 = tpu.vector_load %arg6[%get3A_334, %get3A_335] {strides = array<i32>} : memref<200x64xf32, #tpu.memory_space<vmem>>, vector<1x16xf32>,
        %get3A_337 = vector.shape_cast %get3A_336 : vector<1x16xf32> to vector<16xf32>
        %add3A_338 = arith.addf %add3A_310, %get3A_337 : vector<16xf32>
        %add3A_339 = arith.constant 2 : i32
        %add3A_340 = arith.addi %mul3A_283, %add3A_339 : i32
        %get3A_341 = arith.index_cast %add3A_340 : i32 to index
        %get3A_342 = arith.constant 0 : index
        %get3A_343 = tpu.vector_load %arg6[%get3A_341, %get3A_342] {strides = array<i32>} : memref<200x64xf32, #tpu.memory_space<vmem>>, vector<1x16xf32>,
        %get3A_344 = vector.shape_cast %get3A_343 : vector<1x16xf32> to vector<16xf32>
        %add3A_345 = arith.addf %add3A_317, %get3A_344 : vector<16xf32>
        %add3A_346 = arith.constant 2 : i32
        %add3A_347 = arith.addi %mul3A_283, %add3A_346 : i32
        %get3A_348 = arith.index_cast %add3A_347 : i32 to index
        %get3A_349 = arith.constant 16 : index
        %get3A_350 = tpu.vector_load %arg6[%get3A_348, %get3A_349] {strides = array<i32>} : memref<200x64xf32, #tpu.memory_space<vmem>>, vector<1x16xf32>,
        %get3A_351 = vector.shape_cast %get3A_350 : vector<1x16xf32> to vector<16xf32>
        %add3A_352 = arith.addf %add3A_324, %get3A_351 : vector<16xf32>
        %add3A_353 = arith.constant 2 : i32
        %add3A_354 = arith.addi %mul3A_283, %add3A_353 : i32
        %get3A_355 = arith.index_cast %add3A_354 : i32 to index
        %get3A_356 = arith.constant 32 : index
        %get3A_357 = tpu.vector_load %arg6[%get3A_355, %get3A_356] {strides = array<i32>} : memref<200x64xf32, #tpu.memory_space<vmem>>, vector<1x16xf32>,
        %get3A_358 = vector.shape_cast %get3A_357 : vector<1x16xf32> to vector<16xf32>
        %add3A_359 = arith.addf %add3A_331, %get3A_358 : vector<16xf32>
        %add3A_360 = arith.constant 2 : i32
        %add3A_361 = arith.addi %mul3A_283, %add3A_360 : i32
        %get3A_362 = arith.index_cast %add3A_361 : i32 to index
        %get3A_363 = arith.constant 48 : index
        %get3A_364 = tpu.vector_load %arg6[%get3A_362, %get3A_363] {strides = array<i32>} : memref<200x64xf32, #tpu.memory_space<vmem>>, vector<1x16xf32>,
        %get3A_365 = vector.shape_cast %get3A_364 : vector<1x16xf32> to vector<16xf32>
        %add3A_366 = arith.addf %add3A_338, %get3A_365 : vector<16xf32>
        %add3A_367 = arith.constant 3 : i32
        %add3A_368 = arith.addi %mul3A_283, %add3A_367 : i32
        %get3A_369 = arith.index_cast %add3A_368 : i32 to index
        %get3A_370 = arith.constant 0 : index
        %get3A_371 = tpu.vector_load %arg6[%get3A_369, %get3A_370] {strides = array<i32>} : memref<200x64xf32, #tpu.memory_space<vmem>>, vector<1x16xf32>,
        %get3A_372 = vector.shape_cast %get3A_371 : vector<1x16xf32> to vector<16xf32>
        %add3A_373 = arith.addf %add3A_345, %get3A_372 : vector<16xf32>
        %add3A_374 = arith.constant 3 : i32
        %add3A_375 = arith.addi %mul3A_283, %add3A_374 : i32
        %get3A_376 = arith.index_cast %add3A_375 : i32 to index
        %get3A_377 = arith.constant 16 : index
        %get3A_378 = tpu.vector_load %arg6[%get3A_376, %get3A_377] {strides = array<i32>} : memref<200x64xf32, #tpu.memory_space<vmem>>, vector<1x16xf32>,
        %get3A_379 = vector.shape_cast %get3A_378 : vector<1x16xf32> to vector<16xf32>
        %add3A_380 = arith.addf %add3A_352, %get3A_379 : vector<16xf32>
        %add3A_381 = arith.constant 3 : i32
        %add3A_382 = arith.addi %mul3A_283, %add3A_381 : i32
        %get3A_383 = arith.index_cast %add3A_382 : i32 to index
        %get3A_384 = arith.constant 32 : index
        %get3A_385 = tpu.vector_load %arg6[%get3A_383, %get3A_384] {strides = array<i32>} : memref<200x64xf32, #tpu.memory_space<vmem>>, vector<1x16xf32>,
        %get3A_386 = vector.shape_cast %get3A_385 : vector<1x16xf32> to vector<16xf32>
        %add3A_387 = arith.addf %add3A_359, %get3A_386 : vector<16xf32>
        %add3A_388 = arith.constant 3 : i32
        %add3A_389 = arith.addi %mul3A_283, %add3A_388 : i32
        %get3A_390 = arith.index_cast %add3A_389 : i32 to index
        %get3A_391 = arith.constant 48 : index
        %get3A_392 = tpu.vector_load %arg6[%get3A_390, %get3A_391] {strides = array<i32>} : memref<200x64xf32, #tpu.memory_space<vmem>>, vector<1x16xf32>,
        %get3A_393 = vector.shape_cast %get3A_392 : vector<1x16xf32> to vector<16xf32>
        %add3A_394 = arith.addf %add3A_366, %get3A_393 : vector<16xf32>
        %add3A_395 = arith.constant 4 : i32
        %add3A_396 = arith.addi %mul3A_283, %add3A_395 : i32
        %get3A_397 = arith.index_cast %add3A_396 : i32 to index
        %get3A_398 = arith.constant 0 : index
        %get3A_399 = tpu.vector_load %arg6[%get3A_397, %get3A_398] {strides = array<i32>} : memref<200x64xf32, #tpu.memory_space<vmem>>, vector<1x16xf32>,
        %get3A_400 = vector.shape_cast %get3A_399 : vector<1x16xf32> to vector<16xf32>
        %add3A_401 = arith.addf %add3A_373, %get3A_400 : vector<16xf32>
        %add3A_402 = arith.constant 4 : i32
        %add3A_403 = arith.addi %mul3A_283, %add3A_402 : i32
        %get3A_404 = arith.index_cast %add3A_403 : i32 to index
        %get3A_405 = arith.constant 16 : index
        %get3A_406 = tpu.vector_load %arg6[%get3A_404, %get3A_405] {strides = array<i32>} : memref<200x64xf32, #tpu.memory_space<vmem>>, vector<1x16xf32>,
        %get3A_407 = vector.shape_cast %get3A_406 : vector<1x16xf32> to vector<16xf32>
        %add3A_408 = arith.addf %add3A_380, %get3A_407 : vector<16xf32>
        %add3A_409 = arith.constant 4 : i32
        %add3A_410 = arith.addi %mul3A_283, %add3A_409 : i32
        %get3A_411 = arith.index_cast %add3A_410 : i32 to index
        %get3A_412 = arith.constant 32 : index
        %get3A_413 = tpu.vector_load %arg6[%get3A_411, %get3A_412] {strides = array<i32>} : memref<200x64xf32, #tpu.memory_space<vmem>>, vector<1x16xf32>,
        %get3A_414 = vector.shape_cast %get3A_413 : vector<1x16xf32> to vector<16xf32>
        %add3A_415 = arith.addf %add3A_387, %get3A_414 : vector<16xf32>
        %add3A_416 = arith.constant 4 : i32
        %add3A_417 = arith.addi %mul3A_283, %add3A_416 : i32
        %get3A_418 = arith.index_cast %add3A_417 : i32 to index
        %get3A_419 = arith.constant 48 : index
        %get3A_420 = tpu.vector_load %arg6[%get3A_418, %get3A_419] {strides = array<i32>} : memref<200x64xf32, #tpu.memory_space<vmem>>, vector<1x16xf32>,
        %get3A_421 = vector.shape_cast %get3A_420 : vector<1x16xf32> to vector<16xf32>
        %add3A_422 = arith.addf %add3A_394, %get3A_421 : vector<16xf32>
        %add3A_423 = arith.constant 5 : i32
        %add3A_424 = arith.addi %mul3A_283, %add3A_423 : i32
        %get3A_425 = arith.index_cast %add3A_424 : i32 to index
        %get3A_426 = arith.constant 0 : index
        %get3A_427 = tpu.vector_load %arg6[%get3A_425, %get3A_426] {strides = array<i32>} : memref<200x64xf32, #tpu.memory_space<vmem>>, vector<1x16xf32>,
        %get3A_428 = vector.shape_cast %get3A_427 : vector<1x16xf32> to vector<16xf32>
        %add3A_429 = arith.addf %add3A_401, %get3A_428 : vector<16xf32>
        %add3A_430 = arith.constant 5 : i32
        %add3A_431 = arith.addi %mul3A_283, %add3A_430 : i32
        %get3A_432 = arith.index_cast %add3A_431 : i32 to index
        %get3A_433 = arith.constant 16 : index
        %get3A_434 = tpu.vector_load %arg6[%get3A_432, %get3A_433] {strides = array<i32>} : memref<200x64xf32, #tpu.memory_space<vmem>>, vector<1x16xf32>,
        %get3A_435 = vector.shape_cast %get3A_434 : vector<1x16xf32> to vector<16xf32>
        %add3A_436 = arith.addf %add3A_408, %get3A_435 : vector<16xf32>
        %add3A_437 = arith.constant 5 : i32
        %add3A_438 = arith.addi %mul3A_283, %add3A_437 : i32
        %get3A_439 = arith.index_cast %add3A_438 : i32 to index
        %get3A_440 = arith.constant 32 : index
        %get3A_441 = tpu.vector_load %arg6[%get3A_439, %get3A_440] {strides = array<i32>} : memref<200x64xf32, #tpu.memory_space<vmem>>, vector<1x16xf32>,
        %get3A_442 = vector.shape_cast %get3A_441 : vector<1x16xf32> to vector<16xf32>
        %add3A_443 = arith.addf %add3A_415, %get3A_442 : vector<16xf32>
        %add3A_444 = arith.constant 5 : i32
        %add3A_445 = arith.addi %mul3A_283, %add3A_444 : i32
        %get3A_446 = arith.index_cast %add3A_445 : i32 to index
        %get3A_447 = arith.constant 48 : index
        %get3A_448 = tpu.vector_load %arg6[%get3A_446, %get3A_447] {strides = array<i32>} : memref<200x64xf32, #tpu.memory_space<vmem>>, vector<1x16xf32>,
        %get3A_449 = vector.shape_cast %get3A_448 : vector<1x16xf32> to vector<16xf32>
        %add3A_450 = arith.addf %add3A_422, %get3A_449 : vector<16xf32>
        %add3A_451 = arith.constant 6 : i32
        %add3A_452 = arith.addi %mul3A_283, %add3A_451 : i32
        %get3A_453 = arith.index_cast %add3A_452 : i32 to index
        %get3A_454 = arith.constant 0 : index
        %get3A_455 = tpu.vector_load %arg6[%get3A_453, %get3A_454] {strides = array<i32>} : memref<200x64xf32, #tpu.memory_space<vmem>>, vector<1x16xf32>,
        %get3A_456 = vector.shape_cast %get3A_455 : vector<1x16xf32> to vector<16xf32>
        %add3A_457 = arith.addf %add3A_429, %get3A_456 : vector<16xf32>
        %add3A_458 = arith.constant 6 : i32
        %add3A_459 = arith.addi %mul3A_283, %add3A_458 : i32
        %get3A_460 = arith.index_cast %add3A_459 : i32 to index
        %get3A_461 = arith.constant 16 : index
        %get3A_462 = tpu.vector_load %arg6[%get3A_460, %get3A_461] {strides = array<i32>} : memref<200x64xf32, #tpu.memory_space<vmem>>, vector<1x16xf32>,
        %get3A_463 = vector.shape_cast %get3A_462 : vector<1x16xf32> to vector<16xf32>
        %add3A_464 = arith.addf %add3A_436, %get3A_463 : vector<16xf32>
        %add3A_465 = arith.constant 6 : i32
        %add3A_466 = arith.addi %mul3A_283, %add3A_465 : i32
        %get3A_467 = arith.index_cast %add3A_466 : i32 to index
        %get3A_468 = arith.constant 32 : index
        %get3A_469 = tpu.vector_load %arg6[%get3A_467, %get3A_468] {strides = array<i32>} : memref<200x64xf32, #tpu.memory_space<vmem>>, vector<1x16xf32>,
        %get3A_470 = vector.shape_cast %get3A_469 : vector<1x16xf32> to vector<16xf32>
        %add3A_471 = arith.addf %add3A_443, %get3A_470 : vector<16xf32>
        %add3A_472 = arith.constant 6 : i32
        %add3A_473 = arith.addi %mul3A_283, %add3A_472 : i32
        %get3A_474 = arith.index_cast %add3A_473 : i32 to index
        %get3A_475 = arith.constant 48 : index
        %get3A_476 = tpu.vector_load %arg6[%get3A_474, %get3A_475] {strides = array<i32>} : memref<200x64xf32, #tpu.memory_space<vmem>>, vector<1x16xf32>,
        %get3A_477 = vector.shape_cast %get3A_476 : vector<1x16xf32> to vector<16xf32>
        %add3A_478 = arith.addf %add3A_450, %get3A_477 : vector<16xf32>
        %add3A_479 = arith.constant 7 : i32
        %add3A_480 = arith.addi %mul3A_283, %add3A_479 : i32
        %get3A_481 = arith.index_cast %add3A_480 : i32 to index
        %get3A_482 = arith.constant 0 : index
        %get3A_483 = tpu.vector_load %arg6[%get3A_481, %get3A_482] {strides = array<i32>} : memref<200x64xf32, #tpu.memory_space<vmem>>, vector<1x16xf32>,
        %get3A_484 = vector.shape_cast %get3A_483 : vector<1x16xf32> to vector<16xf32>
        %add3A_485 = arith.addf %add3A_457, %get3A_484 : vector<16xf32>
        %add3A_486 = arith.constant 7 : i32
        %add3A_487 = arith.addi %mul3A_283, %add3A_486 : i32
        %get3A_488 = arith.index_cast %add3A_487 : i32 to index
        %get3A_489 = arith.constant 16 : index
        %get3A_490 = tpu.vector_load %arg6[%get3A_488, %get3A_489] {strides = array<i32>} : memref<200x64xf32, #tpu.memory_space<vmem>>, vector<1x16xf32>,
        %get3A_491 = vector.shape_cast %get3A_490 : vector<1x16xf32> to vector<16xf32>
        %add3A_492 = arith.addf %add3A_464, %get3A_491 : vector<16xf32>
        %add3A_493 = arith.constant 7 : i32
        %add3A_494 = arith.addi %mul3A_283, %add3A_493 : i32
        %get3A_495 = arith.index_cast %add3A_494 : i32 to index
        %get3A_496 = arith.constant 32 : index
        %get3A_497 = tpu.vector_load %arg6[%get3A_495, %get3A_496] {strides = array<i32>} : memref<200x64xf32, #tpu.memory_space<vmem>>, vector<1x16xf32>,
        %get3A_498 = vector.shape_cast %get3A_497 : vector<1x16xf32> to vector<16xf32>
        %add3A_499 = arith.addf %add3A_471, %get3A_498 : vector<16xf32>
        %add3A_500 = arith.constant 7 : i32
        %add3A_501 = arith.addi %mul3A_283, %add3A_500 : i32
        %get3A_502 = arith.index_cast %add3A_501 : i32 to index
        %get3A_503 = arith.constant 48 : index
        %get3A_504 = tpu.vector_load %arg6[%get3A_502, %get3A_503] {strides = array<i32>} : memref<200x64xf32, #tpu.memory_space<vmem>>, vector<1x16xf32>,
        %get3A_505 = vector.shape_cast %get3A_504 : vector<1x16xf32> to vector<16xf32>
        %add3A_506 = arith.addf %add3A_478, %get3A_505 : vector<16xf32>
        scf.yield %add3A_485, %add3A_492, %add3A_499, %add3A_506 : vector<16xf32>, vector<16xf32>, vector<16xf32>, vector<16xf32>
      }
      %scan3A_169 = arith.constant 25 : i32
      %swap3A_170 = arith.index_cast %mul3A_145 : i32 to index
      %swap3A_171 = arith.constant 0 : index
      %swap3A_172 = tpu.vector_load %arg8[%swap3A_170, %swap3A_171] {strides = array<i32>} : memref<128x64xf32, #tpu.memory_space<vmem>>, vector<1x16xf32>,
      %swap3A_173 = vector.shape_cast %swap3A_172 : vector<1x16xf32> to vector<16xf32>
      %swap3A_174 = vector.shape_cast %scan3A_168#0 : vector<16xf32> to vector<1x16xf32>
      tpu.vector_store %arg8[%swap3A_170, %swap3A_171], %swap3A_174 {strides = array<i32>} : memref<128x64xf32, #tpu.memory_space<vmem>>, vector<1x16xf32>,
      %swap3A_175 = arith.index_cast %mul3A_145 : i32 to index
      %swap3A_176 = arith.constant 16 : index
      %swap3A_177 = tpu.vector_load %arg8[%swap3A_175, %swap3A_176] {strides = array<i32>} : memref<128x64xf32, #tpu.memory_space<vmem>>, vector<1x16xf32>,
      %swap3A_178 = vector.shape_cast %swap3A_177 : vector<1x16xf32> to vector<16xf32>
      %swap3A_179 = vector.shape_cast %scan3A_168#1 : vector<16xf32> to vector<1x16xf32>
      tpu.vector_store %arg8[%swap3A_175, %swap3A_176], %swap3A_179 {strides = array<i32>} : memref<128x64xf32, #tpu.memory_space<vmem>>, vector<1x16xf32>,
      %swap3A_180 = arith.index_cast %mul3A_145 : i32 to index
      %swap3A_181 = arith.constant 32 : index
      %swap3A_182 = tpu.vector_load %arg8[%swap3A_180, %swap3A_181] {strides = array<i32>} : memref<128x64xf32, #tpu.memory_space<vmem>>, vector<1x16xf32>,
      %swap3A_183 = vector.shape_cast %swap3A_182 : vector<1x16xf32> to vector<16xf32>
      %swap3A_184 = vector.shape_cast %scan3A_168#2 : vector<16xf32> to vector<1x16xf32>
      tpu.vector_store %arg8[%swap3A_180, %swap3A_181], %swap3A_184 {strides = array<i32>} : memref<128x64xf32, #tpu.memory_space<vmem>>, vector<1x16xf32>,
      %swap3A_185 = arith.index_cast %mul3A_145 : i32 to index
      %swap3A_186 = arith.constant 48 : index
      %swap3A_187 = tpu.vector_load %arg8[%swap3A_185, %swap3A_186] {strides = array<i32>} : memref<128x64xf32, #tpu.memory_space<vmem>>, vector<1x16xf32>,
      %swap3A_188 = vector.shape_cast %swap3A_187 : vector<1x16xf32> to vector<16xf32>
      %swap3A_189 = vector.shape_cast %scan3A_168#3 : vector<16xf32> to vector<1x16xf32>
      tpu.vector_store %arg8[%swap3A_185, %swap3A_186], %swap3A_189 {strides = array<i32>} : memref<128x64xf32, #tpu.memory_space<vmem>>, vector<1x16xf32>,
      %add3A_190 = arith.constant 2 : i32
      %add3A_191 = arith.addi %mul3A_145, %add3A_190 : i32
      %mul3A_192 = arith.constant 200 : i32
      %mul3A_193 = arith.muli %add3A_191, %mul3A_192 : i32
      %dma_start3A_194 = arith.constant 0 : i32
      %dma_start3A_195 = arith.constant 0 : i32
      %dma_start3A_196 = tpu.memref_slice %arg6[%dma_start3A_194, %dma_start3A_195] : memref<200x64xf32, #tpu.memory_space<vmem>> -> memref<104x64xf32, #tpu.memory_space<vmem>>
      %dma_start3A_197 = tpu.memref_slice %arg5[%mul3A_193] : memref<25600xi32, #tpu.memory_space<vmem>> -> memref<104xi32, #tpu.memory_space<vmem>>
      %dma_start3A_198 = arith.constant 0 : i32
      %dma_start3A_199 = arith.constant 0 : i32
      %dma_start3A_200 = tpu.memref_slice %arg3[%dma_start3A_198, %dma_start3A_199] : memref<2000000x64xf32, #tpu.memory_space<hbm>> -> memref<2000000x64xf32, #tpu.memory_space<hbm>>
      tpu.enqueue_indirect_dma source(%dma_start3A_200 : memref<2000000x64xf32, #tpu.memory_space<hbm>>) target(%dma_start3A_196 : memref<104x64xf32, #tpu.memory_space<vmem>>) offsets(%dma_start3A_197 : memref<104xi32, #tpu.memory_space<vmem>>) semaphore(%arg9 : memref<!tpu.dma_semaphore, #tpu.memory_space<semaphore_mem>>)
      %add3A_201 = arith.constant 104 : i32
      %add3A_202 = arith.addi %mul3A_193, %add3A_201 : i32
      %dma_start3A_203 = arith.constant 104 : i32
      %dma_start3A_204 = arith.constant 0 : i32
      %dma_start3A_205 = tpu.memref_slice %arg6[%dma_start3A_203, %dma_start3A_204] : memref<200x64xf32, #tpu.memory_space<vmem>> -> memref<96x64xf32, #tpu.memory_space<vmem>>
      %dma_start3A_206 = tpu.memref_slice %arg5[%add3A_202] : memref<25600xi32, #tpu.memory_space<vmem>> -> memref<96xi32, #tpu.memory_space<vmem>>
      %dma_start3A_207 = arith.constant 0 : i32
      %dma_start3A_208 = arith.constant 0 : i32
      %dma_start3A_209 = tpu.memref_slice %arg3[%dma_start3A_207, %dma_start3A_208] : memref<2000000x64xf32, #tpu.memory_space<hbm>> -> memref<2000000x64xf32, #tpu.memory_space<hbm>>
      tpu.enqueue_indirect_dma source(%dma_start3A_209 : memref<2000000x64xf32, #tpu.memory_space<hbm>>) target(%dma_start3A_205 : memref<96x64xf32, #tpu.memory_space<vmem>>) offsets(%dma_start3A_206 : memref<96xi32, #tpu.memory_space<vmem>>) semaphore(%arg9 : memref<!tpu.dma_semaphore, #tpu.memory_space<semaphore_mem>>)
      %dma_wait3A_210 = arith.constant 0 : i32
      %dma_wait3A_211 = arith.constant 0 : i32
      %dma_wait3A_212 = tpu.memref_slice %arg7[%dma_wait3A_210, %dma_wait3A_211] : memref<200x64xf32, #tpu.memory_space<vmem>> -> memref<104x64xf32, #tpu.memory_space<vmem>>
      %dma_wait3A_213 = arith.constant 0 : i32
      %dma_wait3A_214 = tpu.memref_slice %arg5[%dma_wait3A_213] : memref<25600xi32, #tpu.memory_space<vmem>> -> memref<104xi32, #tpu.memory_space<vmem>>
      %dma_wait3A_215 = arith.constant 0 : i32
      %dma_wait3A_216 = arith.constant 0 : i32
      %dma_wait3A_217 = tpu.memref_slice %arg3[%dma_wait3A_215, %dma_wait3A_216] : memref<2000000x64xf32, #tpu.memory_space<hbm>> -> memref<2000000x64xf32, #tpu.memory_space<hbm>>
      tpu.wait_indirect_dma semaphore(%arg10 : memref<!tpu.dma_semaphore, #tpu.memory_space<semaphore_mem>>) src(%dma_wait3A_217 : memref<2000000x64xf32, #tpu.memory_space<hbm>>) dst(%dma_wait3A_212 : memref<104x64xf32, #tpu.memory_space<vmem>>)
      %dma_wait3A_218 = arith.constant 104 : i32
      %dma_wait3A_219 = arith.constant 0 : i32
      %dma_wait3A_220 = tpu.memref_slice %arg7[%dma_wait3A_218, %dma_wait3A_219] : memref<200x64xf32, #tpu.memory_space<vmem>> -> memref<96x64xf32, #tpu.memory_space<vmem>>
      %dma_wait3A_221 = arith.constant 0 : i32
      %dma_wait3A_222 = tpu.memref_slice %arg5[%dma_wait3A_221] : memref<25600xi32, #tpu.memory_space<vmem>> -> memref<96xi32, #tpu.memory_space<vmem>>
      %dma_wait3A_223 = arith.constant 0 : i32
      %dma_wait3A_224 = arith.constant 0 : i32
      %dma_wait3A_225 = tpu.memref_slice %arg3[%dma_wait3A_223, %dma_wait3A_224] : memref<2000000x64xf32, #tpu.memory_space<hbm>> -> memref<2000000x64xf32, #tpu.memory_space<hbm>>
      tpu.wait_indirect_dma semaphore(%arg10 : memref<!tpu.dma_semaphore, #tpu.memory_space<semaphore_mem>>) src(%dma_wait3A_225 : memref<2000000x64xf32, #tpu.memory_space<hbm>>) dst(%dma_wait3A_220 : memref<96x64xf32, #tpu.memory_space<vmem>>)
      %add3A_226 = arith.constant 1 : i32
      %add3A_227 = arith.addi %mul3A_145, %add3A_226 : i32
      %broadcast_in_dim3A_228 = arith.constant 0.000000e+00 : f32
      %broadcast_in_dim3A_229 = vector.broadcast %broadcast_in_dim3A_228 : f32 to vector<16xf32>
      %scan3A_230 = arith.constant 0 : i32
      %scan3A_231 = arith.constant 25 : i32
      %scan3A_232 = arith.addi %scan3A_230, %scan3A_231 : i32
      %scan3A_233 = arith.constant 1 : i32
      %scan3A_234:4 = scf.for %scan3A_277 = %scan3A_230 to %scan3A_232 step %scan3A_233 iter_args(%scan3A_278 = %broadcast_in_dim3A_229, %scan3A_279 = %broadcast_in_dim3A_229, %scan3A_280 = %broadcast_in_dim3A_229, %scan3A_281 = %broadcast_in_dim3A_229) -> (vector<16xf32>, vector<16xf32>, vector<16xf32>, vector<16xf32>)  : i32 {
        %mul3A_282 = arith.constant 8 : i32
        %mul3A_283 = arith.muli %scan3A_277, %mul3A_282 : i32
        %add3A_284 = arith.constant 0 : i32
        %add3A_285 = arith.addi %mul3A_283, %add3A_284 : i32
        %get3A = arith.index_cast %add3A_285 : i32 to index
        %get3A_286 = arith.constant 0 : index
        %get3A_287 = tpu.vector_load %arg7[%get3A, %get3A_286] {strides = array<i32>} : memref<200x64xf32, #tpu.memory_space<vmem>>, vector<1x16xf32>,
        %get3A_288 = vector.shape_cast %get3A_287 : vector<1x16xf32> to vector<16xf32>
        %add3A_289 = arith.addf %scan3A_278, %get3A_288 : vector<16xf32>
        %add3A_290 = arith.constant 0 : i32
        %add3A_291 = arith.addi %mul3A_283, %add3A_290 : i32
        %get3A_292 = arith.index_cast %add3A_291 : i32 to index
        %get3A_293 = arith.constant 16 : index
        %get3A_294 = tpu.vector_load %arg7[%get3A_292, %get3A_293] {strides = array<i32>} : memref<200x64xf32, #tpu.memory_space<vmem>>, vector<1x16xf32>,
        %get3A_295 = vector.shape_cast %get3A_294 : vector<1x16xf32> to vector<16xf32>
        %add3A_296 = arith.addf %scan3A_279, %get3A_295 : vector<16xf32>
        %add3A_297 = arith.constant 0 : i32
        %add3A_298 = arith.addi %mul3A_283, %add3A_297 : i32
        %get3A_299 = arith.index_cast %add3A_298 : i32 to index
        %get3A_300 = arith.constant 32 : index
        %get3A_301 = tpu.vector_load %arg7[%get3A_299, %get3A_300] {strides = array<i32>} : memref<200x64xf32, #tpu.memory_space<vmem>>, vector<1x16xf32>,
        %get3A_302 = vector.shape_cast %get3A_301 : vector<1x16xf32> to vector<16xf32>
        %add3A_303 = arith.addf %scan3A_280, %get3A_302 : vector<16xf32>
        %add3A_304 = arith.constant 0 : i32
        %add3A_305 = arith.addi %mul3A_283, %add3A_304 : i32
        %get3A_306 = arith.index_cast %add3A_305 : i32 to index
        %get3A_307 = arith.constant 48 : index
        %get3A_308 = tpu.vector_load %arg7[%get3A_306, %get3A_307] {strides = array<i32>} : memref<200x64xf32, #tpu.memory_space<vmem>>, vector<1x16xf32>,
        %get3A_309 = vector.shape_cast %get3A_308 : vector<1x16xf32> to vector<16xf32>
        %add3A_310 = arith.addf %scan3A_281, %get3A_309 : vector<16xf32>
        %add3A_311 = arith.constant 1 : i32
        %add3A_312 = arith.addi %mul3A_283, %add3A_311 : i32
        %get3A_313 = arith.index_cast %add3A_312 : i32 to index
        %get3A_314 = arith.constant 0 : index
        %get3A_315 = tpu.vector_load %arg7[%get3A_313, %get3A_314] {strides = array<i32>} : memref<200x64xf32, #tpu.memory_space<vmem>>, vector<1x16xf32>,
        %get3A_316 = vector.shape_cast %get3A_315 : vector<1x16xf32> to vector<16xf32>
        %add3A_317 = arith.addf %add3A_289, %get3A_316 : vector<16xf32>
        %add3A_318 = arith.constant 1 : i32
        %add3A_319 = arith.addi %mul3A_283, %add3A_318 : i32
        %get3A_320 = arith.index_cast %add3A_319 : i32 to index
        %get3A_321 = arith.constant 16 : index
        %get3A_322 = tpu.vector_load %arg7[%get3A_320, %get3A_321] {strides = array<i32>} : memref<200x64xf32, #tpu.memory_space<vmem>>, vector<1x16xf32>,
        %get3A_323 = vector.shape_cast %get3A_322 : vector<1x16xf32> to vector<16xf32>
        %add3A_324 = arith.addf %add3A_296, %get3A_323 : vector<16xf32>
        %add3A_325 = arith.constant 1 : i32
        %add3A_326 = arith.addi %mul3A_283, %add3A_325 : i32
        %get3A_327 = arith.index_cast %add3A_326 : i32 to index
        %get3A_328 = arith.constant 32 : index
        %get3A_329 = tpu.vector_load %arg7[%get3A_327, %get3A_328] {strides = array<i32>} : memref<200x64xf32, #tpu.memory_space<vmem>>, vector<1x16xf32>,
        %get3A_330 = vector.shape_cast %get3A_329 : vector<1x16xf32> to vector<16xf32>
        %add3A_331 = arith.addf %add3A_303, %get3A_330 : vector<16xf32>
        %add3A_332 = arith.constant 1 : i32
        %add3A_333 = arith.addi %mul3A_283, %add3A_332 : i32
        %get3A_334 = arith.index_cast %add3A_333 : i32 to index
        %get3A_335 = arith.constant 48 : index
        %get3A_336 = tpu.vector_load %arg7[%get3A_334, %get3A_335] {strides = array<i32>} : memref<200x64xf32, #tpu.memory_space<vmem>>, vector<1x16xf32>,
        %get3A_337 = vector.shape_cast %get3A_336 : vector<1x16xf32> to vector<16xf32>
        %add3A_338 = arith.addf %add3A_310, %get3A_337 : vector<16xf32>
        %add3A_339 = arith.constant 2 : i32
        %add3A_340 = arith.addi %mul3A_283, %add3A_339 : i32
        %get3A_341 = arith.index_cast %add3A_340 : i32 to index
        %get3A_342 = arith.constant 0 : index
        %get3A_343 = tpu.vector_load %arg7[%get3A_341, %get3A_342] {strides = array<i32>} : memref<200x64xf32, #tpu.memory_space<vmem>>, vector<1x16xf32>,
        %get3A_344 = vector.shape_cast %get3A_343 : vector<1x16xf32> to vector<16xf32>
        %add3A_345 = arith.addf %add3A_317, %get3A_344 : vector<16xf32>
        %add3A_346 = arith.constant 2 : i32
        %add3A_347 = arith.addi %mul3A_283, %add3A_346 : i32
        %get3A_348 = arith.index_cast %add3A_347 : i32 to index
        %get3A_349 = arith.constant 16 : index
        %get3A_350 = tpu.vector_load %arg7[%get3A_348, %get3A_349] {strides = array<i32>} : memref<200x64xf32, #tpu.memory_space<vmem>>, vector<1x16xf32>,
        %get3A_351 = vector.shape_cast %get3A_350 : vector<1x16xf32> to vector<16xf32>
        %add3A_352 = arith.addf %add3A_324, %get3A_351 : vector<16xf32>
        %add3A_353 = arith.constant 2 : i32
        %add3A_354 = arith.addi %mul3A_283, %add3A_353 : i32
        %get3A_355 = arith.index_cast %add3A_354 : i32 to index
        %get3A_356 = arith.constant 32 : index
        %get3A_357 = tpu.vector_load %arg7[%get3A_355, %get3A_356] {strides = array<i32>} : memref<200x64xf32, #tpu.memory_space<vmem>>, vector<1x16xf32>,
        %get3A_358 = vector.shape_cast %get3A_357 : vector<1x16xf32> to vector<16xf32>
        %add3A_359 = arith.addf %add3A_331, %get3A_358 : vector<16xf32>
        %add3A_360 = arith.constant 2 : i32
        %add3A_361 = arith.addi %mul3A_283, %add3A_360 : i32
        %get3A_362 = arith.index_cast %add3A_361 : i32 to index
        %get3A_363 = arith.constant 48 : index
        %get3A_364 = tpu.vector_load %arg7[%get3A_362, %get3A_363] {strides = array<i32>} : memref<200x64xf32, #tpu.memory_space<vmem>>, vector<1x16xf32>,
        %get3A_365 = vector.shape_cast %get3A_364 : vector<1x16xf32> to vector<16xf32>
        %add3A_366 = arith.addf %add3A_338, %get3A_365 : vector<16xf32>
        %add3A_367 = arith.constant 3 : i32
        %add3A_368 = arith.addi %mul3A_283, %add3A_367 : i32
        %get3A_369 = arith.index_cast %add3A_368 : i32 to index
        %get3A_370 = arith.constant 0 : index
        %get3A_371 = tpu.vector_load %arg7[%get3A_369, %get3A_370] {strides = array<i32>} : memref<200x64xf32, #tpu.memory_space<vmem>>, vector<1x16xf32>,
        %get3A_372 = vector.shape_cast %get3A_371 : vector<1x16xf32> to vector<16xf32>
        %add3A_373 = arith.addf %add3A_345, %get3A_372 : vector<16xf32>
        %add3A_374 = arith.constant 3 : i32
        %add3A_375 = arith.addi %mul3A_283, %add3A_374 : i32
        %get3A_376 = arith.index_cast %add3A_375 : i32 to index
        %get3A_377 = arith.constant 16 : index
        %get3A_378 = tpu.vector_load %arg7[%get3A_376, %get3A_377] {strides = array<i32>} : memref<200x64xf32, #tpu.memory_space<vmem>>, vector<1x16xf32>,
        %get3A_379 = vector.shape_cast %get3A_378 : vector<1x16xf32> to vector<16xf32>
        %add3A_380 = arith.addf %add3A_352, %get3A_379 : vector<16xf32>
        %add3A_381 = arith.constant 3 : i32
        %add3A_382 = arith.addi %mul3A_283, %add3A_381 : i32
        %get3A_383 = arith.index_cast %add3A_382 : i32 to index
        %get3A_384 = arith.constant 32 : index
        %get3A_385 = tpu.vector_load %arg7[%get3A_383, %get3A_384] {strides = array<i32>} : memref<200x64xf32, #tpu.memory_space<vmem>>, vector<1x16xf32>,
        %get3A_386 = vector.shape_cast %get3A_385 : vector<1x16xf32> to vector<16xf32>
        %add3A_387 = arith.addf %add3A_359, %get3A_386 : vector<16xf32>
        %add3A_388 = arith.constant 3 : i32
        %add3A_389 = arith.addi %mul3A_283, %add3A_388 : i32
        %get3A_390 = arith.index_cast %add3A_389 : i32 to index
        %get3A_391 = arith.constant 48 : index
        %get3A_392 = tpu.vector_load %arg7[%get3A_390, %get3A_391] {strides = array<i32>} : memref<200x64xf32, #tpu.memory_space<vmem>>, vector<1x16xf32>,
        %get3A_393 = vector.shape_cast %get3A_392 : vector<1x16xf32> to vector<16xf32>
        %add3A_394 = arith.addf %add3A_366, %get3A_393 : vector<16xf32>
        %add3A_395 = arith.constant 4 : i32
        %add3A_396 = arith.addi %mul3A_283, %add3A_395 : i32
        %get3A_397 = arith.index_cast %add3A_396 : i32 to index
        %get3A_398 = arith.constant 0 : index
        %get3A_399 = tpu.vector_load %arg7[%get3A_397, %get3A_398] {strides = array<i32>} : memref<200x64xf32, #tpu.memory_space<vmem>>, vector<1x16xf32>,
        %get3A_400 = vector.shape_cast %get3A_399 : vector<1x16xf32> to vector<16xf32>
        %add3A_401 = arith.addf %add3A_373, %get3A_400 : vector<16xf32>
        %add3A_402 = arith.constant 4 : i32
        %add3A_403 = arith.addi %mul3A_283, %add3A_402 : i32
        %get3A_404 = arith.index_cast %add3A_403 : i32 to index
        %get3A_405 = arith.constant 16 : index
        %get3A_406 = tpu.vector_load %arg7[%get3A_404, %get3A_405] {strides = array<i32>} : memref<200x64xf32, #tpu.memory_space<vmem>>, vector<1x16xf32>,
        %get3A_407 = vector.shape_cast %get3A_406 : vector<1x16xf32> to vector<16xf32>
        %add3A_408 = arith.addf %add3A_380, %get3A_407 : vector<16xf32>
        %add3A_409 = arith.constant 4 : i32
        %add3A_410 = arith.addi %mul3A_283, %add3A_409 : i32
        %get3A_411 = arith.index_cast %add3A_410 : i32 to index
        %get3A_412 = arith.constant 32 : index
        %get3A_413 = tpu.vector_load %arg7[%get3A_411, %get3A_412] {strides = array<i32>} : memref<200x64xf32, #tpu.memory_space<vmem>>, vector<1x16xf32>,
        %get3A_414 = vector.shape_cast %get3A_413 : vector<1x16xf32> to vector<16xf32>
        %add3A_415 = arith.addf %add3A_387, %get3A_414 : vector<16xf32>
        %add3A_416 = arith.constant 4 : i32
        %add3A_417 = arith.addi %mul3A_283, %add3A_416 : i32
        %get3A_418 = arith.index_cast %add3A_417 : i32 to index
        %get3A_419 = arith.constant 48 : index
        %get3A_420 = tpu.vector_load %arg7[%get3A_418, %get3A_419] {strides = array<i32>} : memref<200x64xf32, #tpu.memory_space<vmem>>, vector<1x16xf32>,
        %get3A_421 = vector.shape_cast %get3A_420 : vector<1x16xf32> to vector<16xf32>
        %add3A_422 = arith.addf %add3A_394, %get3A_421 : vector<16xf32>
        %add3A_423 = arith.constant 5 : i32
        %add3A_424 = arith.addi %mul3A_283, %add3A_423 : i32
        %get3A_425 = arith.index_cast %add3A_424 : i32 to index
        %get3A_426 = arith.constant 0 : index
        %get3A_427 = tpu.vector_load %arg7[%get3A_425, %get3A_426] {strides = array<i32>} : memref<200x64xf32, #tpu.memory_space<vmem>>, vector<1x16xf32>,
        %get3A_428 = vector.shape_cast %get3A_427 : vector<1x16xf32> to vector<16xf32>
        %add3A_429 = arith.addf %add3A_401, %get3A_428 : vector<16xf32>
        %add3A_430 = arith.constant 5 : i32
        %add3A_431 = arith.addi %mul3A_283, %add3A_430 : i32
        %get3A_432 = arith.index_cast %add3A_431 : i32 to index
        %get3A_433 = arith.constant 16 : index
        %get3A_434 = tpu.vector_load %arg7[%get3A_432, %get3A_433] {strides = array<i32>} : memref<200x64xf32, #tpu.memory_space<vmem>>, vector<1x16xf32>,
        %get3A_435 = vector.shape_cast %get3A_434 : vector<1x16xf32> to vector<16xf32>
        %add3A_436 = arith.addf %add3A_408, %get3A_435 : vector<16xf32>
        %add3A_437 = arith.constant 5 : i32
        %add3A_438 = arith.addi %mul3A_283, %add3A_437 : i32
        %get3A_439 = arith.index_cast %add3A_438 : i32 to index
        %get3A_440 = arith.constant 32 : index
        %get3A_441 = tpu.vector_load %arg7[%get3A_439, %get3A_440] {strides = array<i32>} : memref<200x64xf32, #tpu.memory_space<vmem>>, vector<1x16xf32>,
        %get3A_442 = vector.shape_cast %get3A_441 : vector<1x16xf32> to vector<16xf32>
        %add3A_443 = arith.addf %add3A_415, %get3A_442 : vector<16xf32>
        %add3A_444 = arith.constant 5 : i32
        %add3A_445 = arith.addi %mul3A_283, %add3A_444 : i32
        %get3A_446 = arith.index_cast %add3A_445 : i32 to index
        %get3A_447 = arith.constant 48 : index
        %get3A_448 = tpu.vector_load %arg7[%get3A_446, %get3A_447] {strides = array<i32>} : memref<200x64xf32, #tpu.memory_space<vmem>>, vector<1x16xf32>,
        %get3A_449 = vector.shape_cast %get3A_448 : vector<1x16xf32> to vector<16xf32>
        %add3A_450 = arith.addf %add3A_422, %get3A_449 : vector<16xf32>
        %add3A_451 = arith.constant 6 : i32
        %add3A_452 = arith.addi %mul3A_283, %add3A_451 : i32
        %get3A_453 = arith.index_cast %add3A_452 : i32 to index
        %get3A_454 = arith.constant 0 : index
        %get3A_455 = tpu.vector_load %arg7[%get3A_453, %get3A_454] {strides = array<i32>} : memref<200x64xf32, #tpu.memory_space<vmem>>, vector<1x16xf32>,
        %get3A_456 = vector.shape_cast %get3A_455 : vector<1x16xf32> to vector<16xf32>
        %add3A_457 = arith.addf %add3A_429, %get3A_456 : vector<16xf32>
        %add3A_458 = arith.constant 6 : i32
        %add3A_459 = arith.addi %mul3A_283, %add3A_458 : i32
        %get3A_460 = arith.index_cast %add3A_459 : i32 to index
        %get3A_461 = arith.constant 16 : index
        %get3A_462 = tpu.vector_load %arg7[%get3A_460, %get3A_461] {strides = array<i32>} : memref<200x64xf32, #tpu.memory_space<vmem>>, vector<1x16xf32>,
        %get3A_463 = vector.shape_cast %get3A_462 : vector<1x16xf32> to vector<16xf32>
        %add3A_464 = arith.addf %add3A_436, %get3A_463 : vector<16xf32>
        %add3A_465 = arith.constant 6 : i32
        %add3A_466 = arith.addi %mul3A_283, %add3A_465 : i32
        %get3A_467 = arith.index_cast %add3A_466 : i32 to index
        %get3A_468 = arith.constant 32 : index
        %get3A_469 = tpu.vector_load %arg7[%get3A_467, %get3A_468] {strides = array<i32>} : memref<200x64xf32, #tpu.memory_space<vmem>>, vector<1x16xf32>,
        %get3A_470 = vector.shape_cast %get3A_469 : vector<1x16xf32> to vector<16xf32>
        %add3A_471 = arith.addf %add3A_443, %get3A_470 : vector<16xf32>
        %add3A_472 = arith.constant 6 : i32
        %add3A_473 = arith.addi %mul3A_283, %add3A_472 : i32
        %get3A_474 = arith.index_cast %add3A_473 : i32 to index
        %get3A_475 = arith.constant 48 : index
        %get3A_476 = tpu.vector_load %arg7[%get3A_474, %get3A_475] {strides = array<i32>} : memref<200x64xf32, #tpu.memory_space<vmem>>, vector<1x16xf32>,
        %get3A_477 = vector.shape_cast %get3A_476 : vector<1x16xf32> to vector<16xf32>
        %add3A_478 = arith.addf %add3A_450, %get3A_477 : vector<16xf32>
        %add3A_479 = arith.constant 7 : i32
        %add3A_480 = arith.addi %mul3A_283, %add3A_479 : i32
        %get3A_481 = arith.index_cast %add3A_480 : i32 to index
        %get3A_482 = arith.constant 0 : index
        %get3A_483 = tpu.vector_load %arg7[%get3A_481, %get3A_482] {strides = array<i32>} : memref<200x64xf32, #tpu.memory_space<vmem>>, vector<1x16xf32>,
        %get3A_484 = vector.shape_cast %get3A_483 : vector<1x16xf32> to vector<16xf32>
        %add3A_485 = arith.addf %add3A_457, %get3A_484 : vector<16xf32>
        %add3A_486 = arith.constant 7 : i32
        %add3A_487 = arith.addi %mul3A_283, %add3A_486 : i32
        %get3A_488 = arith.index_cast %add3A_487 : i32 to index
        %get3A_489 = arith.constant 16 : index
        %get3A_490 = tpu.vector_load %arg7[%get3A_488, %get3A_489] {strides = array<i32>} : memref<200x64xf32, #tpu.memory_space<vmem>>, vector<1x16xf32>,
        %get3A_491 = vector.shape_cast %get3A_490 : vector<1x16xf32> to vector<16xf32>
        %add3A_492 = arith.addf %add3A_464, %get3A_491 : vector<16xf32>
        %add3A_493 = arith.constant 7 : i32
        %add3A_494 = arith.addi %mul3A_283, %add3A_493 : i32
        %get3A_495 = arith.index_cast %add3A_494 : i32 to index
        %get3A_496 = arith.constant 32 : index
        %get3A_497 = tpu.vector_load %arg7[%get3A_495, %get3A_496] {strides = array<i32>} : memref<200x64xf32, #tpu.memory_space<vmem>>, vector<1x16xf32>,
        %get3A_498 = vector.shape_cast %get3A_497 : vector<1x16xf32> to vector<16xf32>
        %add3A_499 = arith.addf %add3A_471, %get3A_498 : vector<16xf32>
        %add3A_500 = arith.constant 7 : i32
        %add3A_501 = arith.addi %mul3A_283, %add3A_500 : i32
        %get3A_502 = arith.index_cast %add3A_501 : i32 to index
        %get3A_503 = arith.constant 48 : index
        %get3A_504 = tpu.vector_load %arg7[%get3A_502, %get3A_503] {strides = array<i32>} : memref<200x64xf32, #tpu.memory_space<vmem>>, vector<1x16xf32>,
        %get3A_505 = vector.shape_cast %get3A_504 : vector<1x16xf32> to vector<16xf32>
        %add3A_506 = arith.addf %add3A_478, %get3A_505 : vector<16xf32>
        scf.yield %add3A_485, %add3A_492, %add3A_499, %add3A_506 : vector<16xf32>, vector<16xf32>, vector<16xf32>, vector<16xf32>
      }
      %scan3A_235 = arith.constant 25 : i32
      %swap3A_236 = arith.index_cast %add3A_227 : i32 to index
      %swap3A_237 = arith.constant 0 : index
      %swap3A_238 = tpu.vector_load %arg8[%swap3A_236, %swap3A_237] {strides = array<i32>} : memref<128x64xf32, #tpu.memory_space<vmem>>, vector<1x16xf32>,
      %swap3A_239 = vector.shape_cast %swap3A_238 : vector<1x16xf32> to vector<16xf32>
      %swap3A_240 = vector.shape_cast %scan3A_234#0 : vector<16xf32> to vector<1x16xf32>
      tpu.vector_store %arg8[%swap3A_236, %swap3A_237], %swap3A_240 {strides = array<i32>} : memref<128x64xf32, #tpu.memory_space<vmem>>, vector<1x16xf32>,
      %swap3A_241 = arith.index_cast %add3A_227 : i32 to index
      %swap3A_242 = arith.constant 16 : index
      %swap3A_243 = tpu.vector_load %arg8[%swap3A_241, %swap3A_242] {strides = array<i32>} : memref<128x64xf32, #tpu.memory_space<vmem>>, vector<1x16xf32>,
      %swap3A_244 = vector.shape_cast %swap3A_243 : vector<1x16xf32> to vector<16xf32>
      %swap3A_245 = vector.shape_cast %scan3A_234#1 : vector<16xf32> to vector<1x16xf32>
      tpu.vector_store %arg8[%swap3A_241, %swap3A_242], %swap3A_245 {strides = array<i32>} : memref<128x64xf32, #tpu.memory_space<vmem>>, vector<1x16xf32>,
      %swap3A_246 = arith.index_cast %add3A_227 : i32 to index
      %swap3A_247 = arith.constant 32 : index
      %swap3A_248 = tpu.vector_load %arg8[%swap3A_246, %swap3A_247] {strides = array<i32>} : memref<128x64xf32, #tpu.memory_space<vmem>>, vector<1x16xf32>,
      %swap3A_249 = vector.shape_cast %swap3A_248 : vector<1x16xf32> to vector<16xf32>
      %swap3A_250 = vector.shape_cast %scan3A_234#2 : vector<16xf32> to vector<1x16xf32>
      tpu.vector_store %arg8[%swap3A_246, %swap3A_247], %swap3A_250 {strides = array<i32>} : memref<128x64xf32, #tpu.memory_space<vmem>>, vector<1x16xf32>,
      %swap3A_251 = arith.index_cast %add3A_227 : i32 to index
      %swap3A_252 = arith.constant 48 : index
      %swap3A_253 = tpu.vector_load %arg8[%swap3A_251, %swap3A_252] {strides = array<i32>} : memref<128x64xf32, #tpu.memory_space<vmem>>, vector<1x16xf32>,
      %swap3A_254 = vector.shape_cast %swap3A_253 : vector<1x16xf32> to vector<16xf32>
      %swap3A_255 = vector.shape_cast %scan3A_234#3 : vector<16xf32> to vector<1x16xf32>
      tpu.vector_store %arg8[%swap3A_251, %swap3A_252], %swap3A_255 {strides = array<i32>} : memref<128x64xf32, #tpu.memory_space<vmem>>, vector<1x16xf32>,
      %add3A_256 = arith.constant 3 : i32
      %add3A_257 = arith.addi %mul3A_145, %add3A_256 : i32
      %mul3A_258 = arith.constant 200 : i32
      %mul3A_259 = arith.muli %add3A_257, %mul3A_258 : i32
      %dma_start3A_260 = arith.constant 0 : i32
      %dma_start3A_261 = arith.constant 0 : i32
      %dma_start3A_262 = tpu.memref_slice %arg7[%dma_start3A_260, %dma_start3A_261] : memref<200x64xf32, #tpu.memory_space<vmem>> -> memref<104x64xf32, #tpu.memory_space<vmem>>
      %dma_start3A_263 = tpu.memref_slice %arg5[%mul3A_259] : memref<25600xi32, #tpu.memory_space<vmem>> -> memref<104xi32, #tpu.memory_space<vmem>>
      %dma_start3A_264 = arith.constant 0 : i32
      %dma_start3A_265 = arith.constant 0 : i32
      %dma_start3A_266 = tpu.memref_slice %arg3[%dma_start3A_264, %dma_start3A_265] : memref<2000000x64xf32, #tpu.memory_space<hbm>> -> memref<2000000x64xf32, #tpu.memory_space<hbm>>
      tpu.enqueue_indirect_dma source(%dma_start3A_266 : memref<2000000x64xf32, #tpu.memory_space<hbm>>) target(%dma_start3A_262 : memref<104x64xf32, #tpu.memory_space<vmem>>) offsets(%dma_start3A_263 : memref<104xi32, #tpu.memory_space<vmem>>) semaphore(%arg10 : memref<!tpu.dma_semaphore, #tpu.memory_space<semaphore_mem>>)
      %add3A_267 = arith.constant 104 : i32
      %add3A_268 = arith.addi %mul3A_259, %add3A_267 : i32
      %dma_start3A_269 = arith.constant 104 : i32
      %dma_start3A_270 = arith.constant 0 : i32
      %dma_start3A_271 = tpu.memref_slice %arg7[%dma_start3A_269, %dma_start3A_270] : memref<200x64xf32, #tpu.memory_space<vmem>> -> memref<96x64xf32, #tpu.memory_space<vmem>>
      %dma_start3A_272 = tpu.memref_slice %arg5[%add3A_268] : memref<25600xi32, #tpu.memory_space<vmem>> -> memref<96xi32, #tpu.memory_space<vmem>>
      %dma_start3A_273 = arith.constant 0 : i32
      %dma_start3A_274 = arith.constant 0 : i32
      %dma_start3A_275 = tpu.memref_slice %arg3[%dma_start3A_273, %dma_start3A_274] : memref<2000000x64xf32, #tpu.memory_space<hbm>> -> memref<2000000x64xf32, #tpu.memory_space<hbm>>
      tpu.enqueue_indirect_dma source(%dma_start3A_275 : memref<2000000x64xf32, #tpu.memory_space<hbm>>) target(%dma_start3A_271 : memref<96x64xf32, #tpu.memory_space<vmem>>) offsets(%dma_start3A_272 : memref<96xi32, #tpu.memory_space<vmem>>) semaphore(%arg10 : memref<!tpu.dma_semaphore, #tpu.memory_space<semaphore_mem>>)
      %scan3A_276 = arith.constant 0 : i32
      scf.yield %scan3A_276 : i32
    }
    %scan3A_46 = arith.constant 63 : i32
    %dma_wait3A = arith.constant 0 : i32
    %dma_wait3A_47 = arith.constant 0 : i32
    %dma_wait3A_48 = tpu.memref_slice %arg6[%dma_wait3A, %dma_wait3A_47] : memref<200x64xf32, #tpu.memory_space<vmem>> -> memref<104x64xf32, #tpu.memory_space<vmem>>
    %dma_wait3A_49 = arith.constant 0 : i32
    %dma_wait3A_50 = tpu.memref_slice %arg5[%dma_wait3A_49] : memref<25600xi32, #tpu.memory_space<vmem>> -> memref<104xi32, #tpu.memory_space<vmem>>
    %dma_wait3A_51 = arith.constant 0 : i32
    %dma_wait3A_52 = arith.constant 0 : i32
    %dma_wait3A_53 = tpu.memref_slice %arg3[%dma_wait3A_51, %dma_wait3A_52] : memref<2000000x64xf32, #tpu.memory_space<hbm>> -> memref<2000000x64xf32, #tpu.memory_space<hbm>>
    tpu.wait_indirect_dma semaphore(%arg9 : memref<!tpu.dma_semaphore, #tpu.memory_space<semaphore_mem>>) src(%dma_wait3A_53 : memref<2000000x64xf32, #tpu.memory_space<hbm>>) dst(%dma_wait3A_48 : memref<104x64xf32, #tpu.memory_space<vmem>>)
    %dma_wait3A_54 = arith.constant 104 : i32
    %dma_wait3A_55 = arith.constant 0 : i32
    %dma_wait3A_56 = tpu.memref_slice %arg6[%dma_wait3A_54, %dma_wait3A_55] : memref<200x64xf32, #tpu.memory_space<vmem>> -> memref<96x64xf32, #tpu.memory_space<vmem>>
    %dma_wait3A_57 = arith.constant 0 : i32
    %dma_wait3A_58 = tpu.memref_slice %arg5[%dma_wait3A_57] : memref<25600xi32, #tpu.memory_space<vmem>> -> memref<96xi32, #tpu.memory_space<vmem>>
    %dma_wait3A_59 = arith.constant 0 : i32
    %dma_wait3A_60 = arith.constant 0 : i32
    %dma_wait3A_61 = tpu.memref_slice %arg3[%dma_wait3A_59, %dma_wait3A_60] : memref<2000000x64xf32, #tpu.memory_space<hbm>> -> memref<2000000x64xf32, #tpu.memory_space<hbm>>
    tpu.wait_indirect_dma semaphore(%arg9 : memref<!tpu.dma_semaphore, #tpu.memory_space<semaphore_mem>>) src(%dma_wait3A_61 : memref<2000000x64xf32, #tpu.memory_space<hbm>>) dst(%dma_wait3A_56 : memref<96x64xf32, #tpu.memory_space<vmem>>)
    %broadcast_in_dim3A = arith.constant 0.000000e+00 : f32
    %broadcast_in_dim3A_62 = vector.broadcast %broadcast_in_dim3A : f32 to vector<16xf32>
    %scan3A_63 = arith.constant 0 : i32
    %scan3A_64 = arith.constant 25 : i32
    %scan3A_65 = arith.addi %scan3A_63, %scan3A_64 : i32
    %scan3A_66 = arith.constant 1 : i32
    %scan3A_67:4 = scf.for %scan3A_142 = %scan3A_63 to %scan3A_65 step %scan3A_66 iter_args(%scan3A_143 = %broadcast_in_dim3A_62, %scan3A_144 = %broadcast_in_dim3A_62, %scan3A_145 = %broadcast_in_dim3A_62, %scan3A_146 = %broadcast_in_dim3A_62) -> (vector<16xf32>, vector<16xf32>, vector<16xf32>, vector<16xf32>)  : i32 {
      %mul3A_147 = arith.constant 8 : i32
      %mul3A_148 = arith.muli %scan3A_142, %mul3A_147 : i32
      %add3A_149 = arith.constant 0 : i32
      %add3A_150 = arith.addi %mul3A_148, %add3A_149 : i32
      %get3A = arith.index_cast %add3A_150 : i32 to index
      %get3A_151 = arith.constant 0 : index
      %get3A_152 = tpu.vector_load %arg6[%get3A, %get3A_151] {strides = array<i32>} : memref<200x64xf32, #tpu.memory_space<vmem>>, vector<1x16xf32>,
      %get3A_153 = vector.shape_cast %get3A_152 : vector<1x16xf32> to vector<16xf32>
      %add3A_154 = arith.addf %scan3A_143, %get3A_153 : vector<16xf32>
      %add3A_155 = arith.constant 0 : i32
      %add3A_156 = arith.addi %mul3A_148, %add3A_155 : i32
      %get3A_157 = arith.index_cast %add3A_156 : i32 to index
      %get3A_158 = arith.constant 16 : index
      %get3A_159 = tpu.vector_load %arg6[%get3A_157, %get3A_158] {strides = array<i32>} : memref<200x64xf32, #tpu.memory_space<vmem>>, vector<1x16xf32>,
      %get3A_160 = vector.shape_cast %get3A_159 : vector<1x16xf32> to vector<16xf32>
      %add3A_161 = arith.addf %scan3A_144, %get3A_160 : vector<16xf32>
      %add3A_162 = arith.constant 0 : i32
      %add3A_163 = arith.addi %mul3A_148, %add3A_162 : i32
      %get3A_164 = arith.index_cast %add3A_163 : i32 to index
      %get3A_165 = arith.constant 32 : index
      %get3A_166 = tpu.vector_load %arg6[%get3A_164, %get3A_165] {strides = array<i32>} : memref<200x64xf32, #tpu.memory_space<vmem>>, vector<1x16xf32>,
      %get3A_167 = vector.shape_cast %get3A_166 : vector<1x16xf32> to vector<16xf32>
      %add3A_168 = arith.addf %scan3A_145, %get3A_167 : vector<16xf32>
      %add3A_169 = arith.constant 0 : i32
      %add3A_170 = arith.addi %mul3A_148, %add3A_169 : i32
      %get3A_171 = arith.index_cast %add3A_170 : i32 to index
      %get3A_172 = arith.constant 48 : index
      %get3A_173 = tpu.vector_load %arg6[%get3A_171, %get3A_172] {strides = array<i32>} : memref<200x64xf32, #tpu.memory_space<vmem>>, vector<1x16xf32>,
      %get3A_174 = vector.shape_cast %get3A_173 : vector<1x16xf32> to vector<16xf32>
      %add3A_175 = arith.addf %scan3A_146, %get3A_174 : vector<16xf32>
      %add3A_176 = arith.constant 1 : i32
      %add3A_177 = arith.addi %mul3A_148, %add3A_176 : i32
      %get3A_178 = arith.index_cast %add3A_177 : i32 to index
      %get3A_179 = arith.constant 0 : index
      %get3A_180 = tpu.vector_load %arg6[%get3A_178, %get3A_179] {strides = array<i32>} : memref<200x64xf32, #tpu.memory_space<vmem>>, vector<1x16xf32>,
      %get3A_181 = vector.shape_cast %get3A_180 : vector<1x16xf32> to vector<16xf32>
      %add3A_182 = arith.addf %add3A_154, %get3A_181 : vector<16xf32>
      %add3A_183 = arith.constant 1 : i32
      %add3A_184 = arith.addi %mul3A_148, %add3A_183 : i32
      %get3A_185 = arith.index_cast %add3A_184 : i32 to index
      %get3A_186 = arith.constant 16 : index
      %get3A_187 = tpu.vector_load %arg6[%get3A_185, %get3A_186] {strides = array<i32>} : memref<200x64xf32, #tpu.memory_space<vmem>>, vector<1x16xf32>,
      %get3A_188 = vector.shape_cast %get3A_187 : vector<1x16xf32> to vector<16xf32>
      %add3A_189 = arith.addf %add3A_161, %get3A_188 : vector<16xf32>
      %add3A_190 = arith.constant 1 : i32
      %add3A_191 = arith.addi %mul3A_148, %add3A_190 : i32
      %get3A_192 = arith.index_cast %add3A_191 : i32 to index
      %get3A_193 = arith.constant 32 : index
      %get3A_194 = tpu.vector_load %arg6[%get3A_192, %get3A_193] {strides = array<i32>} : memref<200x64xf32, #tpu.memory_space<vmem>>, vector<1x16xf32>,
      %get3A_195 = vector.shape_cast %get3A_194 : vector<1x16xf32> to vector<16xf32>
      %add3A_196 = arith.addf %add3A_168, %get3A_195 : vector<16xf32>
      %add3A_197 = arith.constant 1 : i32
      %add3A_198 = arith.addi %mul3A_148, %add3A_197 : i32
      %get3A_199 = arith.index_cast %add3A_198 : i32 to index
      %get3A_200 = arith.constant 48 : index
      %get3A_201 = tpu.vector_load %arg6[%get3A_199, %get3A_200] {strides = array<i32>} : memref<200x64xf32, #tpu.memory_space<vmem>>, vector<1x16xf32>,
      %get3A_202 = vector.shape_cast %get3A_201 : vector<1x16xf32> to vector<16xf32>
      %add3A_203 = arith.addf %add3A_175, %get3A_202 : vector<16xf32>
      %add3A_204 = arith.constant 2 : i32
      %add3A_205 = arith.addi %mul3A_148, %add3A_204 : i32
      %get3A_206 = arith.index_cast %add3A_205 : i32 to index
      %get3A_207 = arith.constant 0 : index
      %get3A_208 = tpu.vector_load %arg6[%get3A_206, %get3A_207] {strides = array<i32>} : memref<200x64xf32, #tpu.memory_space<vmem>>, vector<1x16xf32>,
      %get3A_209 = vector.shape_cast %get3A_208 : vector<1x16xf32> to vector<16xf32>
      %add3A_210 = arith.addf %add3A_182, %get3A_209 : vector<16xf32>
      %add3A_211 = arith.constant 2 : i32
      %add3A_212 = arith.addi %mul3A_148, %add3A_211 : i32
      %get3A_213 = arith.index_cast %add3A_212 : i32 to index
      %get3A_214 = arith.constant 16 : index
      %get3A_215 = tpu.vector_load %arg6[%get3A_213, %get3A_214] {strides = array<i32>} : memref<200x64xf32, #tpu.memory_space<vmem>>, vector<1x16xf32>,
      %get3A_216 = vector.shape_cast %get3A_215 : vector<1x16xf32> to vector<16xf32>
      %add3A_217 = arith.addf %add3A_189, %get3A_216 : vector<16xf32>
      %add3A_218 = arith.constant 2 : i32
      %add3A_219 = arith.addi %mul3A_148, %add3A_218 : i32
      %get3A_220 = arith.index_cast %add3A_219 : i32 to index
      %get3A_221 = arith.constant 32 : index
      %get3A_222 = tpu.vector_load %arg6[%get3A_220, %get3A_221] {strides = array<i32>} : memref<200x64xf32, #tpu.memory_space<vmem>>, vector<1x16xf32>,
      %get3A_223 = vector.shape_cast %get3A_222 : vector<1x16xf32> to vector<16xf32>
      %add3A_224 = arith.addf %add3A_196, %get3A_223 : vector<16xf32>
      %add3A_225 = arith.constant 2 : i32
      %add3A_226 = arith.addi %mul3A_148, %add3A_225 : i32
      %get3A_227 = arith.index_cast %add3A_226 : i32 to index
      %get3A_228 = arith.constant 48 : index
      %get3A_229 = tpu.vector_load %arg6[%get3A_227, %get3A_228] {strides = array<i32>} : memref<200x64xf32, #tpu.memory_space<vmem>>, vector<1x16xf32>,
      %get3A_230 = vector.shape_cast %get3A_229 : vector<1x16xf32> to vector<16xf32>
      %add3A_231 = arith.addf %add3A_203, %get3A_230 : vector<16xf32>
      %add3A_232 = arith.constant 3 : i32
      %add3A_233 = arith.addi %mul3A_148, %add3A_232 : i32
      %get3A_234 = arith.index_cast %add3A_233 : i32 to index
      %get3A_235 = arith.constant 0 : index
      %get3A_236 = tpu.vector_load %arg6[%get3A_234, %get3A_235] {strides = array<i32>} : memref<200x64xf32, #tpu.memory_space<vmem>>, vector<1x16xf32>,
      %get3A_237 = vector.shape_cast %get3A_236 : vector<1x16xf32> to vector<16xf32>
      %add3A_238 = arith.addf %add3A_210, %get3A_237 : vector<16xf32>
      %add3A_239 = arith.constant 3 : i32
      %add3A_240 = arith.addi %mul3A_148, %add3A_239 : i32
      %get3A_241 = arith.index_cast %add3A_240 : i32 to index
      %get3A_242 = arith.constant 16 : index
      %get3A_243 = tpu.vector_load %arg6[%get3A_241, %get3A_242] {strides = array<i32>} : memref<200x64xf32, #tpu.memory_space<vmem>>, vector<1x16xf32>,
      %get3A_244 = vector.shape_cast %get3A_243 : vector<1x16xf32> to vector<16xf32>
      %add3A_245 = arith.addf %add3A_217, %get3A_244 : vector<16xf32>
      %add3A_246 = arith.constant 3 : i32
      %add3A_247 = arith.addi %mul3A_148, %add3A_246 : i32
      %get3A_248 = arith.index_cast %add3A_247 : i32 to index
      %get3A_249 = arith.constant 32 : index
      %get3A_250 = tpu.vector_load %arg6[%get3A_248, %get3A_249] {strides = array<i32>} : memref<200x64xf32, #tpu.memory_space<vmem>>, vector<1x16xf32>,
      %get3A_251 = vector.shape_cast %get3A_250 : vector<1x16xf32> to vector<16xf32>
      %add3A_252 = arith.addf %add3A_224, %get3A_251 : vector<16xf32>
      %add3A_253 = arith.constant 3 : i32
      %add3A_254 = arith.addi %mul3A_148, %add3A_253 : i32
      %get3A_255 = arith.index_cast %add3A_254 : i32 to index
      %get3A_256 = arith.constant 48 : index
      %get3A_257 = tpu.vector_load %arg6[%get3A_255, %get3A_256] {strides = array<i32>} : memref<200x64xf32, #tpu.memory_space<vmem>>, vector<1x16xf32>,
      %get3A_258 = vector.shape_cast %get3A_257 : vector<1x16xf32> to vector<16xf32>
      %add3A_259 = arith.addf %add3A_231, %get3A_258 : vector<16xf32>
      %add3A_260 = arith.constant 4 : i32
      %add3A_261 = arith.addi %mul3A_148, %add3A_260 : i32
      %get3A_262 = arith.index_cast %add3A_261 : i32 to index
      %get3A_263 = arith.constant 0 : index
      %get3A_264 = tpu.vector_load %arg6[%get3A_262, %get3A_263] {strides = array<i32>} : memref<200x64xf32, #tpu.memory_space<vmem>>, vector<1x16xf32>,
      %get3A_265 = vector.shape_cast %get3A_264 : vector<1x16xf32> to vector<16xf32>
      %add3A_266 = arith.addf %add3A_238, %get3A_265 : vector<16xf32>
      %add3A_267 = arith.constant 4 : i32
      %add3A_268 = arith.addi %mul3A_148, %add3A_267 : i32
      %get3A_269 = arith.index_cast %add3A_268 : i32 to index
      %get3A_270 = arith.constant 16 : index
      %get3A_271 = tpu.vector_load %arg6[%get3A_269, %get3A_270] {strides = array<i32>} : memref<200x64xf32, #tpu.memory_space<vmem>>, vector<1x16xf32>,
      %get3A_272 = vector.shape_cast %get3A_271 : vector<1x16xf32> to vector<16xf32>
      %add3A_273 = arith.addf %add3A_245, %get3A_272 : vector<16xf32>
      %add3A_274 = arith.constant 4 : i32
      %add3A_275 = arith.addi %mul3A_148, %add3A_274 : i32
      %get3A_276 = arith.index_cast %add3A_275 : i32 to index
      %get3A_277 = arith.constant 32 : index
      %get3A_278 = tpu.vector_load %arg6[%get3A_276, %get3A_277] {strides = array<i32>} : memref<200x64xf32, #tpu.memory_space<vmem>>, vector<1x16xf32>,
      %get3A_279 = vector.shape_cast %get3A_278 : vector<1x16xf32> to vector<16xf32>
      %add3A_280 = arith.addf %add3A_252, %get3A_279 : vector<16xf32>
      %add3A_281 = arith.constant 4 : i32
      %add3A_282 = arith.addi %mul3A_148, %add3A_281 : i32
      %get3A_283 = arith.index_cast %add3A_282 : i32 to index
      %get3A_284 = arith.constant 48 : index
      %get3A_285 = tpu.vector_load %arg6[%get3A_283, %get3A_284] {strides = array<i32>} : memref<200x64xf32, #tpu.memory_space<vmem>>, vector<1x16xf32>,
      %get3A_286 = vector.shape_cast %get3A_285 : vector<1x16xf32> to vector<16xf32>
      %add3A_287 = arith.addf %add3A_259, %get3A_286 : vector<16xf32>
      %add3A_288 = arith.constant 5 : i32
      %add3A_289 = arith.addi %mul3A_148, %add3A_288 : i32
      %get3A_290 = arith.index_cast %add3A_289 : i32 to index
      %get3A_291 = arith.constant 0 : index
      %get3A_292 = tpu.vector_load %arg6[%get3A_290, %get3A_291] {strides = array<i32>} : memref<200x64xf32, #tpu.memory_space<vmem>>, vector<1x16xf32>,
      %get3A_293 = vector.shape_cast %get3A_292 : vector<1x16xf32> to vector<16xf32>
      %add3A_294 = arith.addf %add3A_266, %get3A_293 : vector<16xf32>
      %add3A_295 = arith.constant 5 : i32
      %add3A_296 = arith.addi %mul3A_148, %add3A_295 : i32
      %get3A_297 = arith.index_cast %add3A_296 : i32 to index
      %get3A_298 = arith.constant 16 : index
      %get3A_299 = tpu.vector_load %arg6[%get3A_297, %get3A_298] {strides = array<i32>} : memref<200x64xf32, #tpu.memory_space<vmem>>, vector<1x16xf32>,
      %get3A_300 = vector.shape_cast %get3A_299 : vector<1x16xf32> to vector<16xf32>
      %add3A_301 = arith.addf %add3A_273, %get3A_300 : vector<16xf32>
      %add3A_302 = arith.constant 5 : i32
      %add3A_303 = arith.addi %mul3A_148, %add3A_302 : i32
      %get3A_304 = arith.index_cast %add3A_303 : i32 to index
      %get3A_305 = arith.constant 32 : index
      %get3A_306 = tpu.vector_load %arg6[%get3A_304, %get3A_305] {strides = array<i32>} : memref<200x64xf32, #tpu.memory_space<vmem>>, vector<1x16xf32>,
      %get3A_307 = vector.shape_cast %get3A_306 : vector<1x16xf32> to vector<16xf32>
      %add3A_308 = arith.addf %add3A_280, %get3A_307 : vector<16xf32>
      %add3A_309 = arith.constant 5 : i32
      %add3A_310 = arith.addi %mul3A_148, %add3A_309 : i32
      %get3A_311 = arith.index_cast %add3A_310 : i32 to index
      %get3A_312 = arith.constant 48 : index
      %get3A_313 = tpu.vector_load %arg6[%get3A_311, %get3A_312] {strides = array<i32>} : memref<200x64xf32, #tpu.memory_space<vmem>>, vector<1x16xf32>,
      %get3A_314 = vector.shape_cast %get3A_313 : vector<1x16xf32> to vector<16xf32>
      %add3A_315 = arith.addf %add3A_287, %get3A_314 : vector<16xf32>
      %add3A_316 = arith.constant 6 : i32
      %add3A_317 = arith.addi %mul3A_148, %add3A_316 : i32
      %get3A_318 = arith.index_cast %add3A_317 : i32 to index
      %get3A_319 = arith.constant 0 : index
      %get3A_320 = tpu.vector_load %arg6[%get3A_318, %get3A_319] {strides = array<i32>} : memref<200x64xf32, #tpu.memory_space<vmem>>, vector<1x16xf32>,
      %get3A_321 = vector.shape_cast %get3A_320 : vector<1x16xf32> to vector<16xf32>
      %add3A_322 = arith.addf %add3A_294, %get3A_321 : vector<16xf32>
      %add3A_323 = arith.constant 6 : i32
      %add3A_324 = arith.addi %mul3A_148, %add3A_323 : i32
      %get3A_325 = arith.index_cast %add3A_324 : i32 to index
      %get3A_326 = arith.constant 16 : index
      %get3A_327 = tpu.vector_load %arg6[%get3A_325, %get3A_326] {strides = array<i32>} : memref<200x64xf32, #tpu.memory_space<vmem>>, vector<1x16xf32>,
      %get3A_328 = vector.shape_cast %get3A_327 : vector<1x16xf32> to vector<16xf32>
      %add3A_329 = arith.addf %add3A_301, %get3A_328 : vector<16xf32>
      %add3A_330 = arith.constant 6 : i32
      %add3A_331 = arith.addi %mul3A_148, %add3A_330 : i32
      %get3A_332 = arith.index_cast %add3A_331 : i32 to index
      %get3A_333 = arith.constant 32 : index
      %get3A_334 = tpu.vector_load %arg6[%get3A_332, %get3A_333] {strides = array<i32>} : memref<200x64xf32, #tpu.memory_space<vmem>>, vector<1x16xf32>,
      %get3A_335 = vector.shape_cast %get3A_334 : vector<1x16xf32> to vector<16xf32>
      %add3A_336 = arith.addf %add3A_308, %get3A_335 : vector<16xf32>
      %add3A_337 = arith.constant 6 : i32
      %add3A_338 = arith.addi %mul3A_148, %add3A_337 : i32
      %get3A_339 = arith.index_cast %add3A_338 : i32 to index
      %get3A_340 = arith.constant 48 : index
      %get3A_341 = tpu.vector_load %arg6[%get3A_339, %get3A_340] {strides = array<i32>} : memref<200x64xf32, #tpu.memory_space<vmem>>, vector<1x16xf32>,
      %get3A_342 = vector.shape_cast %get3A_341 : vector<1x16xf32> to vector<16xf32>
      %add3A_343 = arith.addf %add3A_315, %get3A_342 : vector<16xf32>
      %add3A_344 = arith.constant 7 : i32
      %add3A_345 = arith.addi %mul3A_148, %add3A_344 : i32
      %get3A_346 = arith.index_cast %add3A_345 : i32 to index
      %get3A_347 = arith.constant 0 : index
      %get3A_348 = tpu.vector_load %arg6[%get3A_346, %get3A_347] {strides = array<i32>} : memref<200x64xf32, #tpu.memory_space<vmem>>, vector<1x16xf32>,
      %get3A_349 = vector.shape_cast %get3A_348 : vector<1x16xf32> to vector<16xf32>
      %add3A_350 = arith.addf %add3A_322, %get3A_349 : vector<16xf32>
      %add3A_351 = arith.constant 7 : i32
      %add3A_352 = arith.addi %mul3A_148, %add3A_351 : i32
      %get3A_353 = arith.index_cast %add3A_352 : i32 to index
      %get3A_354 = arith.constant 16 : index
      %get3A_355 = tpu.vector_load %arg6[%get3A_353, %get3A_354] {strides = array<i32>} : memref<200x64xf32, #tpu.memory_space<vmem>>, vector<1x16xf32>,
      %get3A_356 = vector.shape_cast %get3A_355 : vector<1x16xf32> to vector<16xf32>
      %add3A_357 = arith.addf %add3A_329, %get3A_356 : vector<16xf32>
      %add3A_358 = arith.constant 7 : i32
      %add3A_359 = arith.addi %mul3A_148, %add3A_358 : i32
      %get3A_360 = arith.index_cast %add3A_359 : i32 to index
      %get3A_361 = arith.constant 32 : index
      %get3A_362 = tpu.vector_load %arg6[%get3A_360, %get3A_361] {strides = array<i32>} : memref<200x64xf32, #tpu.memory_space<vmem>>, vector<1x16xf32>,
      %get3A_363 = vector.shape_cast %get3A_362 : vector<1x16xf32> to vector<16xf32>
      %add3A_364 = arith.addf %add3A_336, %get3A_363 : vector<16xf32>
      %add3A_365 = arith.constant 7 : i32
      %add3A_366 = arith.addi %mul3A_148, %add3A_365 : i32
      %get3A_367 = arith.index_cast %add3A_366 : i32 to index
      %get3A_368 = arith.constant 48 : index
      %get3A_369 = tpu.vector_load %arg6[%get3A_367, %get3A_368] {strides = array<i32>} : memref<200x64xf32, #tpu.memory_space<vmem>>, vector<1x16xf32>,
      %get3A_370 = vector.shape_cast %get3A_369 : vector<1x16xf32> to vector<16xf32>
      %add3A_371 = arith.addf %add3A_343, %get3A_370 : vector<16xf32>
      scf.yield %add3A_350, %add3A_357, %add3A_364, %add3A_371 : vector<16xf32>, vector<16xf32>, vector<16xf32>, vector<16xf32>
    }
    %scan3A_68 = arith.constant 25 : i32
    %swap3A = arith.constant 126 : i32
    %swap3A_69 = arith.index_cast %swap3A : i32 to index
    %swap3A_70 = arith.constant 0 : index
    %swap3A_71 = tpu.vector_load %arg8[%swap3A_69, %swap3A_70] {strides = array<i32>} : memref<128x64xf32, #tpu.memory_space<vmem>>, vector<1x16xf32>,
    %swap3A_72 = vector.shape_cast %swap3A_71 : vector<1x16xf32> to vector<16xf32>
    %swap3A_73 = vector.shape_cast %scan3A_67#0 : vector<16xf32> to vector<1x16xf32>
    tpu.vector_store %arg8[%swap3A_69, %swap3A_70], %swap3A_73 {strides = array<i32>} : memref<128x64xf32, #tpu.memory_space<vmem>>, vector<1x16xf32>,
    %swap3A_74 = arith.constant 126 : i32
    %swap3A_75 = arith.index_cast %swap3A_74 : i32 to index
    %swap3A_76 = arith.constant 16 : index
    %swap3A_77 = tpu.vector_load %arg8[%swap3A_75, %swap3A_76] {strides = array<i32>} : memref<128x64xf32, #tpu.memory_space<vmem>>, vector<1x16xf32>,
    %swap3A_78 = vector.shape_cast %swap3A_77 : vector<1x16xf32> to vector<16xf32>
    %swap3A_79 = vector.shape_cast %scan3A_67#1 : vector<16xf32> to vector<1x16xf32>
    tpu.vector_store %arg8[%swap3A_75, %swap3A_76], %swap3A_79 {strides = array<i32>} : memref<128x64xf32, #tpu.memory_space<vmem>>, vector<1x16xf32>,
    %swap3A_80 = arith.constant 126 : i32
    %swap3A_81 = arith.index_cast %swap3A_80 : i32 to index
    %swap3A_82 = arith.constant 32 : index
    %swap3A_83 = tpu.vector_load %arg8[%swap3A_81, %swap3A_82] {strides = array<i32>} : memref<128x64xf32, #tpu.memory_space<vmem>>, vector<1x16xf32>,
    %swap3A_84 = vector.shape_cast %swap3A_83 : vector<1x16xf32> to vector<16xf32>
    %swap3A_85 = vector.shape_cast %scan3A_67#2 : vector<16xf32> to vector<1x16xf32>
    tpu.vector_store %arg8[%swap3A_81, %swap3A_82], %swap3A_85 {strides = array<i32>} : memref<128x64xf32, #tpu.memory_space<vmem>>, vector<1x16xf32>,
    %swap3A_86 = arith.constant 126 : i32
    %swap3A_87 = arith.index_cast %swap3A_86 : i32 to index
    %swap3A_88 = arith.constant 48 : index
    %swap3A_89 = tpu.vector_load %arg8[%swap3A_87, %swap3A_88] {strides = array<i32>} : memref<128x64xf32, #tpu.memory_space<vmem>>, vector<1x16xf32>,
    %swap3A_90 = vector.shape_cast %swap3A_89 : vector<1x16xf32> to vector<16xf32>
    %swap3A_91 = vector.shape_cast %scan3A_67#3 : vector<16xf32> to vector<1x16xf32>
    tpu.vector_store %arg8[%swap3A_87, %swap3A_88], %swap3A_91 {strides = array<i32>} : memref<128x64xf32, #tpu.memory_space<vmem>>, vector<1x16xf32>,
    %dma_wait3A_92 = arith.constant 0 : i32
    %dma_wait3A_93 = arith.constant 0 : i32
    %dma_wait3A_94 = tpu.memref_slice %arg7[%dma_wait3A_92, %dma_wait3A_93] : memref<200x64xf32, #tpu.memory_space<vmem>> -> memref<104x64xf32, #tpu.memory_space<vmem>>
    %dma_wait3A_95 = arith.constant 0 : i32
    %dma_wait3A_96 = tpu.memref_slice %arg5[%dma_wait3A_95] : memref<25600xi32, #tpu.memory_space<vmem>> -> memref<104xi32, #tpu.memory_space<vmem>>
    %dma_wait3A_97 = arith.constant 0 : i32
    %dma_wait3A_98 = arith.constant 0 : i32
    %dma_wait3A_99 = tpu.memref_slice %arg3[%dma_wait3A_97, %dma_wait3A_98] : memref<2000000x64xf32, #tpu.memory_space<hbm>> -> memref<2000000x64xf32, #tpu.memory_space<hbm>>
    tpu.wait_indirect_dma semaphore(%arg10 : memref<!tpu.dma_semaphore, #tpu.memory_space<semaphore_mem>>) src(%dma_wait3A_99 : memref<2000000x64xf32, #tpu.memory_space<hbm>>) dst(%dma_wait3A_94 : memref<104x64xf32, #tpu.memory_space<vmem>>)
    %dma_wait3A_100 = arith.constant 104 : i32
    %dma_wait3A_101 = arith.constant 0 : i32
    %dma_wait3A_102 = tpu.memref_slice %arg7[%dma_wait3A_100, %dma_wait3A_101] : memref<200x64xf32, #tpu.memory_space<vmem>> -> memref<96x64xf32, #tpu.memory_space<vmem>>
    %dma_wait3A_103 = arith.constant 0 : i32
    %dma_wait3A_104 = tpu.memref_slice %arg5[%dma_wait3A_103] : memref<25600xi32, #tpu.memory_space<vmem>> -> memref<96xi32, #tpu.memory_space<vmem>>
    %dma_wait3A_105 = arith.constant 0 : i32
    %dma_wait3A_106 = arith.constant 0 : i32
    %dma_wait3A_107 = tpu.memref_slice %arg3[%dma_wait3A_105, %dma_wait3A_106] : memref<2000000x64xf32, #tpu.memory_space<hbm>> -> memref<2000000x64xf32, #tpu.memory_space<hbm>>
    tpu.wait_indirect_dma semaphore(%arg10 : memref<!tpu.dma_semaphore, #tpu.memory_space<semaphore_mem>>) src(%dma_wait3A_107 : memref<2000000x64xf32, #tpu.memory_space<hbm>>) dst(%dma_wait3A_102 : memref<96x64xf32, #tpu.memory_space<vmem>>)
    %broadcast_in_dim3A_108 = arith.constant 0.000000e+00 : f32
    %broadcast_in_dim3A_109 = vector.broadcast %broadcast_in_dim3A_108 : f32 to vector<16xf32>
    %scan3A_110 = arith.constant 0 : i32
    %scan3A_111 = arith.constant 25 : i32
    %scan3A_112 = arith.addi %scan3A_110, %scan3A_111 : i32
    %scan3A_113 = arith.constant 1 : i32
    %scan3A_114:4 = scf.for %scan3A_142 = %scan3A_110 to %scan3A_112 step %scan3A_113 iter_args(%scan3A_143 = %broadcast_in_dim3A_109, %scan3A_144 = %broadcast_in_dim3A_109, %scan3A_145 = %broadcast_in_dim3A_109, %scan3A_146 = %broadcast_in_dim3A_109) -> (vector<16xf32>, vector<16xf32>, vector<16xf32>, vector<16xf32>)  : i32 {
      %mul3A_147 = arith.constant 8 : i32
      %mul3A_148 = arith.muli %scan3A_142, %mul3A_147 : i32
      %add3A_149 = arith.constant 0 : i32
      %add3A_150 = arith.addi %mul3A_148, %add3A_149 : i32
      %get3A = arith.index_cast %add3A_150 : i32 to index
      %get3A_151 = arith.constant 0 : index
      %get3A_152 = tpu.vector_load %arg7[%get3A, %get3A_151] {strides = array<i32>} : memref<200x64xf32, #tpu.memory_space<vmem>>, vector<1x16xf32>,
      %get3A_153 = vector.shape_cast %get3A_152 : vector<1x16xf32> to vector<16xf32>
      %add3A_154 = arith.addf %scan3A_143, %get3A_153 : vector<16xf32>
      %add3A_155 = arith.constant 0 : i32
      %add3A_156 = arith.addi %mul3A_148, %add3A_155 : i32
      %get3A_157 = arith.index_cast %add3A_156 : i32 to index
      %get3A_158 = arith.constant 16 : index
      %get3A_159 = tpu.vector_load %arg7[%get3A_157, %get3A_158] {strides = array<i32>} : memref<200x64xf32, #tpu.memory_space<vmem>>, vector<1x16xf32>,
      %get3A_160 = vector.shape_cast %get3A_159 : vector<1x16xf32> to vector<16xf32>
      %add3A_161 = arith.addf %scan3A_144, %get3A_160 : vector<16xf32>
      %add3A_162 = arith.constant 0 : i32
      %add3A_163 = arith.addi %mul3A_148, %add3A_162 : i32
      %get3A_164 = arith.index_cast %add3A_163 : i32 to index
      %get3A_165 = arith.constant 32 : index
      %get3A_166 = tpu.vector_load %arg7[%get3A_164, %get3A_165] {strides = array<i32>} : memref<200x64xf32, #tpu.memory_space<vmem>>, vector<1x16xf32>,
      %get3A_167 = vector.shape_cast %get3A_166 : vector<1x16xf32> to vector<16xf32>
      %add3A_168 = arith.addf %scan3A_145, %get3A_167 : vector<16xf32>
      %add3A_169 = arith.constant 0 : i32
      %add3A_170 = arith.addi %mul3A_148, %add3A_169 : i32
      %get3A_171 = arith.index_cast %add3A_170 : i32 to index
      %get3A_172 = arith.constant 48 : index
      %get3A_173 = tpu.vector_load %arg7[%get3A_171, %get3A_172] {strides = array<i32>} : memref<200x64xf32, #tpu.memory_space<vmem>>, vector<1x16xf32>,
      %get3A_174 = vector.shape_cast %get3A_173 : vector<1x16xf32> to vector<16xf32>
      %add3A_175 = arith.addf %scan3A_146, %get3A_174 : vector<16xf32>
      %add3A_176 = arith.constant 1 : i32
      %add3A_177 = arith.addi %mul3A_148, %add3A_176 : i32
      %get3A_178 = arith.index_cast %add3A_177 : i32 to index
      %get3A_179 = arith.constant 0 : index
      %get3A_180 = tpu.vector_load %arg7[%get3A_178, %get3A_179] {strides = array<i32>} : memref<200x64xf32, #tpu.memory_space<vmem>>, vector<1x16xf32>,
      %get3A_181 = vector.shape_cast %get3A_180 : vector<1x16xf32> to vector<16xf32>
      %add3A_182 = arith.addf %add3A_154, %get3A_181 : vector<16xf32>
      %add3A_183 = arith.constant 1 : i32
      %add3A_184 = arith.addi %mul3A_148, %add3A_183 : i32
      %get3A_185 = arith.index_cast %add3A_184 : i32 to index
      %get3A_186 = arith.constant 16 : index
      %get3A_187 = tpu.vector_load %arg7[%get3A_185, %get3A_186] {strides = array<i32>} : memref<200x64xf32, #tpu.memory_space<vmem>>, vector<1x16xf32>,
      %get3A_188 = vector.shape_cast %get3A_187 : vector<1x16xf32> to vector<16xf32>
      %add3A_189 = arith.addf %add3A_161, %get3A_188 : vector<16xf32>
      %add3A_190 = arith.constant 1 : i32
      %add3A_191 = arith.addi %mul3A_148, %add3A_190 : i32
      %get3A_192 = arith.index_cast %add3A_191 : i32 to index
      %get3A_193 = arith.constant 32 : index
      %get3A_194 = tpu.vector_load %arg7[%get3A_192, %get3A_193] {strides = array<i32>} : memref<200x64xf32, #tpu.memory_space<vmem>>, vector<1x16xf32>,
      %get3A_195 = vector.shape_cast %get3A_194 : vector<1x16xf32> to vector<16xf32>
      %add3A_196 = arith.addf %add3A_168, %get3A_195 : vector<16xf32>
      %add3A_197 = arith.constant 1 : i32
      %add3A_198 = arith.addi %mul3A_148, %add3A_197 : i32
      %get3A_199 = arith.index_cast %add3A_198 : i32 to index
      %get3A_200 = arith.constant 48 : index
      %get3A_201 = tpu.vector_load %arg7[%get3A_199, %get3A_200] {strides = array<i32>} : memref<200x64xf32, #tpu.memory_space<vmem>>, vector<1x16xf32>,
      %get3A_202 = vector.shape_cast %get3A_201 : vector<1x16xf32> to vector<16xf32>
      %add3A_203 = arith.addf %add3A_175, %get3A_202 : vector<16xf32>
      %add3A_204 = arith.constant 2 : i32
      %add3A_205 = arith.addi %mul3A_148, %add3A_204 : i32
      %get3A_206 = arith.index_cast %add3A_205 : i32 to index
      %get3A_207 = arith.constant 0 : index
      %get3A_208 = tpu.vector_load %arg7[%get3A_206, %get3A_207] {strides = array<i32>} : memref<200x64xf32, #tpu.memory_space<vmem>>, vector<1x16xf32>,
      %get3A_209 = vector.shape_cast %get3A_208 : vector<1x16xf32> to vector<16xf32>
      %add3A_210 = arith.addf %add3A_182, %get3A_209 : vector<16xf32>
      %add3A_211 = arith.constant 2 : i32
      %add3A_212 = arith.addi %mul3A_148, %add3A_211 : i32
      %get3A_213 = arith.index_cast %add3A_212 : i32 to index
      %get3A_214 = arith.constant 16 : index
      %get3A_215 = tpu.vector_load %arg7[%get3A_213, %get3A_214] {strides = array<i32>} : memref<200x64xf32, #tpu.memory_space<vmem>>, vector<1x16xf32>,
      %get3A_216 = vector.shape_cast %get3A_215 : vector<1x16xf32> to vector<16xf32>
      %add3A_217 = arith.addf %add3A_189, %get3A_216 : vector<16xf32>
      %add3A_218 = arith.constant 2 : i32
      %add3A_219 = arith.addi %mul3A_148, %add3A_218 : i32
      %get3A_220 = arith.index_cast %add3A_219 : i32 to index
      %get3A_221 = arith.constant 32 : index
      %get3A_222 = tpu.vector_load %arg7[%get3A_220, %get3A_221] {strides = array<i32>} : memref<200x64xf32, #tpu.memory_space<vmem>>, vector<1x16xf32>,
      %get3A_223 = vector.shape_cast %get3A_222 : vector<1x16xf32> to vector<16xf32>
      %add3A_224 = arith.addf %add3A_196, %get3A_223 : vector<16xf32>
      %add3A_225 = arith.constant 2 : i32
      %add3A_226 = arith.addi %mul3A_148, %add3A_225 : i32
      %get3A_227 = arith.index_cast %add3A_226 : i32 to index
      %get3A_228 = arith.constant 48 : index
      %get3A_229 = tpu.vector_load %arg7[%get3A_227, %get3A_228] {strides = array<i32>} : memref<200x64xf32, #tpu.memory_space<vmem>>, vector<1x16xf32>,
      %get3A_230 = vector.shape_cast %get3A_229 : vector<1x16xf32> to vector<16xf32>
      %add3A_231 = arith.addf %add3A_203, %get3A_230 : vector<16xf32>
      %add3A_232 = arith.constant 3 : i32
      %add3A_233 = arith.addi %mul3A_148, %add3A_232 : i32
      %get3A_234 = arith.index_cast %add3A_233 : i32 to index
      %get3A_235 = arith.constant 0 : index
      %get3A_236 = tpu.vector_load %arg7[%get3A_234, %get3A_235] {strides = array<i32>} : memref<200x64xf32, #tpu.memory_space<vmem>>, vector<1x16xf32>,
      %get3A_237 = vector.shape_cast %get3A_236 : vector<1x16xf32> to vector<16xf32>
      %add3A_238 = arith.addf %add3A_210, %get3A_237 : vector<16xf32>
      %add3A_239 = arith.constant 3 : i32
      %add3A_240 = arith.addi %mul3A_148, %add3A_239 : i32
      %get3A_241 = arith.index_cast %add3A_240 : i32 to index
      %get3A_242 = arith.constant 16 : index
      %get3A_243 = tpu.vector_load %arg7[%get3A_241, %get3A_242] {strides = array<i32>} : memref<200x64xf32, #tpu.memory_space<vmem>>, vector<1x16xf32>,
      %get3A_244 = vector.shape_cast %get3A_243 : vector<1x16xf32> to vector<16xf32>
      %add3A_245 = arith.addf %add3A_217, %get3A_244 : vector<16xf32>
      %add3A_246 = arith.constant 3 : i32
      %add3A_247 = arith.addi %mul3A_148, %add3A_246 : i32
      %get3A_248 = arith.index_cast %add3A_247 : i32 to index
      %get3A_249 = arith.constant 32 : index
      %get3A_250 = tpu.vector_load %arg7[%get3A_248, %get3A_249] {strides = array<i32>} : memref<200x64xf32, #tpu.memory_space<vmem>>, vector<1x16xf32>,
      %get3A_251 = vector.shape_cast %get3A_250 : vector<1x16xf32> to vector<16xf32>
      %add3A_252 = arith.addf %add3A_224, %get3A_251 : vector<16xf32>
      %add3A_253 = arith.constant 3 : i32
      %add3A_254 = arith.addi %mul3A_148, %add3A_253 : i32
      %get3A_255 = arith.index_cast %add3A_254 : i32 to index
      %get3A_256 = arith.constant 48 : index
      %get3A_257 = tpu.vector_load %arg7[%get3A_255, %get3A_256] {strides = array<i32>} : memref<200x64xf32, #tpu.memory_space<vmem>>, vector<1x16xf32>,
      %get3A_258 = vector.shape_cast %get3A_257 : vector<1x16xf32> to vector<16xf32>
      %add3A_259 = arith.addf %add3A_231, %get3A_258 : vector<16xf32>
      %add3A_260 = arith.constant 4 : i32
      %add3A_261 = arith.addi %mul3A_148, %add3A_260 : i32
      %get3A_262 = arith.index_cast %add3A_261 : i32 to index
      %get3A_263 = arith.constant 0 : index
      %get3A_264 = tpu.vector_load %arg7[%get3A_262, %get3A_263] {strides = array<i32>} : memref<200x64xf32, #tpu.memory_space<vmem>>, vector<1x16xf32>,
      %get3A_265 = vector.shape_cast %get3A_264 : vector<1x16xf32> to vector<16xf32>
      %add3A_266 = arith.addf %add3A_238, %get3A_265 : vector<16xf32>
      %add3A_267 = arith.constant 4 : i32
      %add3A_268 = arith.addi %mul3A_148, %add3A_267 : i32
      %get3A_269 = arith.index_cast %add3A_268 : i32 to index
      %get3A_270 = arith.constant 16 : index
      %get3A_271 = tpu.vector_load %arg7[%get3A_269, %get3A_270] {strides = array<i32>} : memref<200x64xf32, #tpu.memory_space<vmem>>, vector<1x16xf32>,
      %get3A_272 = vector.shape_cast %get3A_271 : vector<1x16xf32> to vector<16xf32>
      %add3A_273 = arith.addf %add3A_245, %get3A_272 : vector<16xf32>
      %add3A_274 = arith.constant 4 : i32
      %add3A_275 = arith.addi %mul3A_148, %add3A_274 : i32
      %get3A_276 = arith.index_cast %add3A_275 : i32 to index
      %get3A_277 = arith.constant 32 : index
      %get3A_278 = tpu.vector_load %arg7[%get3A_276, %get3A_277] {strides = array<i32>} : memref<200x64xf32, #tpu.memory_space<vmem>>, vector<1x16xf32>,
      %get3A_279 = vector.shape_cast %get3A_278 : vector<1x16xf32> to vector<16xf32>
      %add3A_280 = arith.addf %add3A_252, %get3A_279 : vector<16xf32>
      %add3A_281 = arith.constant 4 : i32
      %add3A_282 = arith.addi %mul3A_148, %add3A_281 : i32
      %get3A_283 = arith.index_cast %add3A_282 : i32 to index
      %get3A_284 = arith.constant 48 : index
      %get3A_285 = tpu.vector_load %arg7[%get3A_283, %get3A_284] {strides = array<i32>} : memref<200x64xf32, #tpu.memory_space<vmem>>, vector<1x16xf32>,
      %get3A_286 = vector.shape_cast %get3A_285 : vector<1x16xf32> to vector<16xf32>
      %add3A_287 = arith.addf %add3A_259, %get3A_286 : vector<16xf32>
      %add3A_288 = arith.constant 5 : i32
      %add3A_289 = arith.addi %mul3A_148, %add3A_288 : i32
      %get3A_290 = arith.index_cast %add3A_289 : i32 to index
      %get3A_291 = arith.constant 0 : index
      %get3A_292 = tpu.vector_load %arg7[%get3A_290, %get3A_291] {strides = array<i32>} : memref<200x64xf32, #tpu.memory_space<vmem>>, vector<1x16xf32>,
      %get3A_293 = vector.shape_cast %get3A_292 : vector<1x16xf32> to vector<16xf32>
      %add3A_294 = arith.addf %add3A_266, %get3A_293 : vector<16xf32>
      %add3A_295 = arith.constant 5 : i32
      %add3A_296 = arith.addi %mul3A_148, %add3A_295 : i32
      %get3A_297 = arith.index_cast %add3A_296 : i32 to index
      %get3A_298 = arith.constant 16 : index
      %get3A_299 = tpu.vector_load %arg7[%get3A_297, %get3A_298] {strides = array<i32>} : memref<200x64xf32, #tpu.memory_space<vmem>>, vector<1x16xf32>,
      %get3A_300 = vector.shape_cast %get3A_299 : vector<1x16xf32> to vector<16xf32>
      %add3A_301 = arith.addf %add3A_273, %get3A_300 : vector<16xf32>
      %add3A_302 = arith.constant 5 : i32
      %add3A_303 = arith.addi %mul3A_148, %add3A_302 : i32
      %get3A_304 = arith.index_cast %add3A_303 : i32 to index
      %get3A_305 = arith.constant 32 : index
      %get3A_306 = tpu.vector_load %arg7[%get3A_304, %get3A_305] {strides = array<i32>} : memref<200x64xf32, #tpu.memory_space<vmem>>, vector<1x16xf32>,
      %get3A_307 = vector.shape_cast %get3A_306 : vector<1x16xf32> to vector<16xf32>
      %add3A_308 = arith.addf %add3A_280, %get3A_307 : vector<16xf32>
      %add3A_309 = arith.constant 5 : i32
      %add3A_310 = arith.addi %mul3A_148, %add3A_309 : i32
      %get3A_311 = arith.index_cast %add3A_310 : i32 to index
      %get3A_312 = arith.constant 48 : index
      %get3A_313 = tpu.vector_load %arg7[%get3A_311, %get3A_312] {strides = array<i32>} : memref<200x64xf32, #tpu.memory_space<vmem>>, vector<1x16xf32>,
      %get3A_314 = vector.shape_cast %get3A_313 : vector<1x16xf32> to vector<16xf32>
      %add3A_315 = arith.addf %add3A_287, %get3A_314 : vector<16xf32>
      %add3A_316 = arith.constant 6 : i32
      %add3A_317 = arith.addi %mul3A_148, %add3A_316 : i32
      %get3A_318 = arith.index_cast %add3A_317 : i32 to index
      %get3A_319 = arith.constant 0 : index
      %get3A_320 = tpu.vector_load %arg7[%get3A_318, %get3A_319] {strides = array<i32>} : memref<200x64xf32, #tpu.memory_space<vmem>>, vector<1x16xf32>,
      %get3A_321 = vector.shape_cast %get3A_320 : vector<1x16xf32> to vector<16xf32>
      %add3A_322 = arith.addf %add3A_294, %get3A_321 : vector<16xf32>
      %add3A_323 = arith.constant 6 : i32
      %add3A_324 = arith.addi %mul3A_148, %add3A_323 : i32
      %get3A_325 = arith.index_cast %add3A_324 : i32 to index
      %get3A_326 = arith.constant 16 : index
      %get3A_327 = tpu.vector_load %arg7[%get3A_325, %get3A_326] {strides = array<i32>} : memref<200x64xf32, #tpu.memory_space<vmem>>, vector<1x16xf32>,
      %get3A_328 = vector.shape_cast %get3A_327 : vector<1x16xf32> to vector<16xf32>
      %add3A_329 = arith.addf %add3A_301, %get3A_328 : vector<16xf32>
      %add3A_330 = arith.constant 6 : i32
      %add3A_331 = arith.addi %mul3A_148, %add3A_330 : i32
      %get3A_332 = arith.index_cast %add3A_331 : i32 to index
      %get3A_333 = arith.constant 32 : index
      %get3A_334 = tpu.vector_load %arg7[%get3A_332, %get3A_333] {strides = array<i32>} : memref<200x64xf32, #tpu.memory_space<vmem>>, vector<1x16xf32>,
      %get3A_335 = vector.shape_cast %get3A_334 : vector<1x16xf32> to vector<16xf32>
      %add3A_336 = arith.addf %add3A_308, %get3A_335 : vector<16xf32>
      %add3A_337 = arith.constant 6 : i32
      %add3A_338 = arith.addi %mul3A_148, %add3A_337 : i32
      %get3A_339 = arith.index_cast %add3A_338 : i32 to index
      %get3A_340 = arith.constant 48 : index
      %get3A_341 = tpu.vector_load %arg7[%get3A_339, %get3A_340] {strides = array<i32>} : memref<200x64xf32, #tpu.memory_space<vmem>>, vector<1x16xf32>,
      %get3A_342 = vector.shape_cast %get3A_341 : vector<1x16xf32> to vector<16xf32>
      %add3A_343 = arith.addf %add3A_315, %get3A_342 : vector<16xf32>
      %add3A_344 = arith.constant 7 : i32
      %add3A_345 = arith.addi %mul3A_148, %add3A_344 : i32
      %get3A_346 = arith.index_cast %add3A_345 : i32 to index
      %get3A_347 = arith.constant 0 : index
      %get3A_348 = tpu.vector_load %arg7[%get3A_346, %get3A_347] {strides = array<i32>} : memref<200x64xf32, #tpu.memory_space<vmem>>, vector<1x16xf32>,
      %get3A_349 = vector.shape_cast %get3A_348 : vector<1x16xf32> to vector<16xf32>
      %add3A_350 = arith.addf %add3A_322, %get3A_349 : vector<16xf32>
      %add3A_351 = arith.constant 7 : i32
      %add3A_352 = arith.addi %mul3A_148, %add3A_351 : i32
      %get3A_353 = arith.index_cast %add3A_352 : i32 to index
      %get3A_354 = arith.constant 16 : index
      %get3A_355 = tpu.vector_load %arg7[%get3A_353, %get3A_354] {strides = array<i32>} : memref<200x64xf32, #tpu.memory_space<vmem>>, vector<1x16xf32>,
      %get3A_356 = vector.shape_cast %get3A_355 : vector<1x16xf32> to vector<16xf32>
      %add3A_357 = arith.addf %add3A_329, %get3A_356 : vector<16xf32>
      %add3A_358 = arith.constant 7 : i32
      %add3A_359 = arith.addi %mul3A_148, %add3A_358 : i32
      %get3A_360 = arith.index_cast %add3A_359 : i32 to index
      %get3A_361 = arith.constant 32 : index
      %get3A_362 = tpu.vector_load %arg7[%get3A_360, %get3A_361] {strides = array<i32>} : memref<200x64xf32, #tpu.memory_space<vmem>>, vector<1x16xf32>,
      %get3A_363 = vector.shape_cast %get3A_362 : vector<1x16xf32> to vector<16xf32>
      %add3A_364 = arith.addf %add3A_336, %get3A_363 : vector<16xf32>
      %add3A_365 = arith.constant 7 : i32
      %add3A_366 = arith.addi %mul3A_148, %add3A_365 : i32
      %get3A_367 = arith.index_cast %add3A_366 : i32 to index
      %get3A_368 = arith.constant 48 : index
      %get3A_369 = tpu.vector_load %arg7[%get3A_367, %get3A_368] {strides = array<i32>} : memref<200x64xf32, #tpu.memory_space<vmem>>, vector<1x16xf32>,
      %get3A_370 = vector.shape_cast %get3A_369 : vector<1x16xf32> to vector<16xf32>
      %add3A_371 = arith.addf %add3A_343, %get3A_370 : vector<16xf32>
      scf.yield %add3A_350, %add3A_357, %add3A_364, %add3A_371 : vector<16xf32>, vector<16xf32>, vector<16xf32>, vector<16xf32>
    }
    %scan3A_115 = arith.constant 25 : i32
    %swap3A_116 = arith.constant 127 : i32
    %swap3A_117 = arith.index_cast %swap3A_116 : i32 to index
    %swap3A_118 = arith.constant 0 : index
    %swap3A_119 = tpu.vector_load %arg8[%swap3A_117, %swap3A_118] {strides = array<i32>} : memref<128x64xf32, #tpu.memory_space<vmem>>, vector<1x16xf32>,
    %swap3A_120 = vector.shape_cast %swap3A_119 : vector<1x16xf32> to vector<16xf32>
    %swap3A_121 = vector.shape_cast %scan3A_114#0 : vector<16xf32> to vector<1x16xf32>
    tpu.vector_store %arg8[%swap3A_117, %swap3A_118], %swap3A_121 {strides = array<i32>} : memref<128x64xf32, #tpu.memory_space<vmem>>, vector<1x16xf32>,
    %swap3A_122 = arith.constant 127 : i32
    %swap3A_123 = arith.index_cast %swap3A_122 : i32 to index
    %swap3A_124 = arith.constant 16 : index
    %swap3A_125 = tpu.vector_load %arg8[%swap3A_123, %swap3A_124] {strides = array<i32>} : memref<128x64xf32, #tpu.memory_space<vmem>>, vector<1x16xf32>,
    %swap3A_126 = vector.shape_cast %swap3A_125 : vector<1x16xf32> to vector<16xf32>
    %swap3A_127 = vector.shape_cast %scan3A_114#1 : vector<16xf32> to vector<1x16xf32>
    tpu.vector_store %arg8[%swap3A_123, %swap3A_124], %swap3A_127 {strides = array<i32>} : memref<128x64xf32, #tpu.memory_space<vmem>>, vector<1x16xf32>,
    %swap3A_128 = arith.constant 127 : i32
    %swap3A_129 = arith.index_cast %swap3A_128 : i32 to index
    %swap3A_130 = arith.constant 32 : index
    %swap3A_131 = tpu.vector_load %arg8[%swap3A_129, %swap3A_130] {strides = array<i32>} : memref<128x64xf32, #tpu.memory_space<vmem>>, vector<1x16xf32>,
    %swap3A_132 = vector.shape_cast %swap3A_131 : vector<1x16xf32> to vector<16xf32>
    %swap3A_133 = vector.shape_cast %scan3A_114#2 : vector<16xf32> to vector<1x16xf32>
    tpu.vector_store %arg8[%swap3A_129, %swap3A_130], %swap3A_133 {strides = array<i32>} : memref<128x64xf32, #tpu.memory_space<vmem>>, vector<1x16xf32>,
    %swap3A_134 = arith.constant 127 : i32
    %swap3A_135 = arith.index_cast %swap3A_134 : i32 to index
    %swap3A_136 = arith.constant 48 : index
    %swap3A_137 = tpu.vector_load %arg8[%swap3A_135, %swap3A_136] {strides = array<i32>} : memref<128x64xf32, #tpu.memory_space<vmem>>, vector<1x16xf32>,
    %swap3A_138 = vector.shape_cast %swap3A_137 : vector<1x16xf32> to vector<16xf32>
    %swap3A_139 = vector.shape_cast %scan3A_114#3 : vector<16xf32> to vector<1x16xf32>
    tpu.vector_store %arg8[%swap3A_135, %swap3A_136], %swap3A_139 {strides = array<i32>} : memref<128x64xf32, #tpu.memory_space<vmem>>, vector<1x16xf32>,
    %mul3A_140 = arith.constant 128 : i32
    %mul3A_141 = arith.muli %add3A, %mul3A_140 : i32
    "tpu.region"() ({
      %run_scoped3A = tpu.sem_alloc : memref<!tpu.dma_semaphore, #tpu.memory_space<semaphore_mem>>
      %dma_start3A_142 = arith.constant 0 : i32
      %dma_start3A_143 = tpu.memref_slice %arg4[%mul3A_141, %dma_start3A_142] : memref<4096x64xf32, #tpu.memory_space<hbm>> -> memref<128x64xf32, #tpu.memory_space<hbm>>
      %dma_start3A_144 = arith.constant 0 : i32
      %dma_start3A_145 = tpu.memref_slice %arg4[%mul3A_141, %dma_start3A_144] : memref<4096x64xf32, #tpu.memory_space<hbm>> -> memref<128x64xf32, #tpu.memory_space<hbm>>
      tpu.enqueue_dma source(%arg8 : memref<128x64xf32, #tpu.memory_space<vmem>>) target(%dma_start3A_145 : memref<128x64xf32, #tpu.memory_space<hbm>>) target_semaphore(%run_scoped3A : memref<!tpu.dma_semaphore, #tpu.memory_space<semaphore_mem>>)
      %dma_wait3A_146 = arith.constant 0 : i32
      %dma_wait3A_147 = tpu.memref_slice %arg4[%mul3A_141, %dma_wait3A_146] : memref<4096x64xf32, #tpu.memory_space<hbm>> -> memref<128x64xf32, #tpu.memory_space<hbm>>
      %dma_wait3A_148 = arith.constant 0 : i32
      %dma_wait3A_149 = tpu.memref_slice %arg4[%mul3A_141, %dma_wait3A_148] : memref<4096x64xf32, #tpu.memory_space<hbm>> -> memref<128x64xf32, #tpu.memory_space<hbm>>
      tpu.wait_dma2 semaphore(%run_scoped3A : memref<!tpu.dma_semaphore, #tpu.memory_space<semaphore_mem>>) src(%arg8 : memref<128x64xf32, #tpu.memory_space<vmem>>) dst(%dma_wait3A_149 : memref<128x64xf32, #tpu.memory_space<hbm>>)
      tpu.yield
    }) : () -> ()
    return
  }
}

module attributes {stable_mosaic.version = 14 : i64} {
  func.func @_tc_detile_body(%arg0: i32, %arg1: memref<64x4096xf32, #tpu.memory_space<vmem>>, %arg2: memref<4096x128xf32, #tpu.memory_space<vmem>>) attributes {dimension_semantics = [#tpu.dimension_semantics<arbitrary>], iteration_bounds = array<i64: 245>, scalar_prefetch = 0 : i64, scratch_operands = 0 : i64, tpu.core_type = #tpu.core_type<tc>, window_params = [{transform_indices = @transform_0, window_bounds = array<i64: 64, 4096>}, {transform_indices = @transform_1, window_bounds = array<i64: 4096, 128>}]} {
    %get3A = arith.constant 0 : index
    %get3A_0 = arith.constant 0 : index
    %get3A_1 = vector.load %arg1[%get3A, %get3A_0] : memref<64x4096xf32, #tpu.memory_space<vmem>>, vector<64x4096xf32>
    %transpose3A = tpu.transpose %get3A_1, [1, 0] : vector<64x4096xf32> -> vector<4096x64xf32>
    %broadcast_in_dim3A = arith.constant 0.000000e+00 : f32
    %broadcast_in_dim3A_2 = vector.broadcast %broadcast_in_dim3A : f32 to vector<4096x64xf32>
    %concatenate3A = tpu.concatenate %transpose3A, %broadcast_in_dim3A_2 in 1 : vector<4096x64xf32>, vector<4096x64xf32> -> vector<4096x128xf32>
    %swap3A = arith.constant 0 : index
    %swap3A_3 = arith.constant 0 : index
    %swap3A_4 = vector.load %arg2[%swap3A, %swap3A_3] : memref<4096x128xf32, #tpu.memory_space<vmem>>, vector<4096x128xf32>
    tpu.vector_store %arg2[%swap3A, %swap3A_3], %concatenate3A {strides = array<i32>} : memref<4096x128xf32, #tpu.memory_space<vmem>>, vector<4096x128xf32>,
    return
  }
  func.func @transform_0(%arg0: i32) -> (i32, i32) {
    %c0_i32 = arith.constant 0 : i32
    %c0_i32_0 = arith.constant 0 : i32
    return %c0_i32, %arg0 : i32, i32
  }
  func.func @transform_1(%arg0: i32) -> (i32, i32) {
    %c0_i32 = arith.constant 0 : i32
    %c0_i32_0 = arith.constant 0 : i32
    return %arg0, %c0_i32 : i32, i32
  }
}

module attributes {stable_mosaic.version = 14 : i64} {
  func.func @_tc_linear_body(%arg0: i32, %arg1: memref<512x64xf32, #tpu.memory_space<vmem>>, %arg2: memref<64x64xf32, #tpu.memory_space<vmem>>, %arg3: memref<1x64xf32, #tpu.memory_space<vmem>>, %arg4: memref<512x64xf32, #tpu.memory_space<vmem>>) attributes {dimension_semantics = [#tpu.dimension_semantics<arbitrary>], iteration_bounds = array<i64: 8>, scalar_prefetch = 0 : i64, scratch_operands = 0 : i64, tpu.core_type = #tpu.core_type<tc>, window_params = [{transform_indices = @transform_0, window_bounds = array<i64: 512, 64>}, {pipeline_mode = #tpu.pipeline_mode<synchronous>, transform_indices = @transform_1, window_bounds = array<i64: 64, 64>}, {pipeline_mode = #tpu.pipeline_mode<synchronous>, transform_indices = @transform_2, window_bounds = array<i64: 1, 64>}, {transform_indices = @transform_3, window_bounds = array<i64: 512, 64>}]} {
    %get3A = arith.constant 0 : index
    %get3A_0 = arith.constant 0 : index
    %get3A_1 = vector.load %arg1[%get3A, %get3A_0] : memref<512x64xf32, #tpu.memory_space<vmem>>, vector<512x64xf32>
    %get3A_2 = arith.constant 0 : index
    %get3A_3 = arith.constant 0 : index
    %get3A_4 = vector.load %arg2[%get3A_2, %get3A_3] : memref<64x64xf32, #tpu.memory_space<vmem>>, vector<64x64xf32>
    %dot_general3A = arith.constant dense<0.000000e+00> : vector<512x64xf32>
    %dot_general3A_5 = tpu.matmul %get3A_1, %get3A_4, %dot_general3A {dimension_numbers = #tpu.dot_dimension_numbers<[1], [1], [0], [0], [0, 0, 1, 0], [], []>, transpose_lhs_hint = false} : vector<512x64xf32>, vector<64x64xf32>, vector<512x64xf32> -> vector<512x64xf32>
    %mul3A = arith.constant 5.000000e-03 : f32
    %mul3A_6 = vector.broadcast %mul3A : f32 to vector<512x64xf32>
    %mul3A_7 = arith.mulf %dot_general3A_5, %mul3A_6 : vector<512x64xf32>
    %get3A_8 = arith.constant 0 : index
    %get3A_9 = arith.constant 0 : index
    %get3A_10 = vector.load %arg3[%get3A_8, %get3A_9] : memref<1x64xf32, #tpu.memory_space<vmem>>, vector<1x64xf32>
    %add3A = vector.broadcast %get3A_10 : vector<1x64xf32> to vector<512x64xf32>
    %add3A_11 = arith.addf %mul3A_7, %add3A : vector<512x64xf32>
    %max3A = arith.constant 0.000000e+00 : f32
    %max3A_12 = vector.broadcast %max3A : f32 to vector<512x64xf32>
    %max3A_13 = arith.maximumf %add3A_11, %max3A_12 : vector<512x64xf32>
    %swap3A = arith.constant 0 : index
    %swap3A_14 = arith.constant 0 : index
    %swap3A_15 = vector.load %arg4[%swap3A, %swap3A_14] : memref<512x64xf32, #tpu.memory_space<vmem>>, vector<512x64xf32>
    tpu.vector_store %arg4[%swap3A, %swap3A_14], %max3A_13 {strides = array<i32>} : memref<512x64xf32, #tpu.memory_space<vmem>>, vector<512x64xf32>,
    return
  }
  func.func @transform_0(%arg0: i32) -> (i32, i32) {
    %c0_i32 = arith.constant 0 : i32
    %c0_i32_0 = arith.constant 0 : i32
    return %arg0, %c0_i32 : i32, i32
  }
  func.func @transform_1(%arg0: i32) -> (i32, i32) {
    %c0_i32 = arith.constant 0 : i32
    %c0_i32_0 = arith.constant 0 : i32
    %c0_i32_1 = arith.constant 0 : i32
    return %c0_i32, %c0_i32_0 : i32, i32
  }
  func.func @transform_2(%arg0: i32) -> (i32, i32) {
    %c0_i32 = arith.constant 0 : i32
    %c0_i32_0 = arith.constant 0 : i32
    %c0_i32_1 = arith.constant 0 : i32
    return %c0_i32, %c0_i32_0 : i32, i32
  }
  func.func @transform_3(%arg0: i32) -> (i32, i32) {
    %c0_i32 = arith.constant 0 : i32
    %c0_i32_0 = arith.constant 0 : i32
    return %arg0, %c0_i32 : i32, i32
  }
}

</mosaic_0001>

<sc_bundles>
// kernel: kernel.5.cloned.1.call-start
scs
__scs_entry_jumppad:
0x0: {  	(pc) =	sbr.rel $0x88, $3  }
0x1: {  	(tag) =	ssettag $0x0;
	lr =	simm.s32 $0x1  }
0x2: {  	[smem:$0x3F9D] =	sst lr;
	_ =	strace $0xD0000000  }
0x3: {  	_ = 	snop  }
0x4: {  	_ = 	snop  }
0x5: {  	_ = 	snop  }
0x6: {  	_ = 	snop  }
0x7: {  	_ = 	snop  }
__scs_overlays_trampoline_lowered:
0x8: {  	[smem:$0x3FAC] =	sst s0  }
0x9: {  	[smem:$0x3FAD] =	sst s1  }
0xa: {  	[smem:$0x3FAE] =	sst s2  }
0xb: {  	[smem:$0x3FAF] =	sst s3  }
0xc: {  	[smem:$0x3FB0] =	sst s4  }
0xd: {  	[smem:$0x3FB1] =	sst s5  }
0xe: {  	[smem:$0x3FB2] =	sst s6  }
0xf: {  	[smem:$0x3FB3] =	sst s7  }
0x10: {  	[smem:$0x3FB4] =	sst s8  }
0x11: {  	[smem:$0x3FB5] =	sst s9;
	s0 =	simm.s32 @!p0 $0x0  }
0x12: {  	s1 =	sld [smem:$0x3F9B];
	s0 =	simm.s32 @p0 $0x1  }
0x13: {  	[smem:$0x3FB6] =	sst s0;
	s0 =	simm.s32 @!p1 $0x0  }
0x14: {  	s2 =	sld [smem:$0x3F9A];
	s0 =	simm.s32 @p1 $0x1  }
0x15: {  	[smem:$0x3FB7] =	sst s0;
	s0 =	simm.s32 @!p2 $0x0  }
0x16: {  	s3 =	sld [smem:$0x3FDB];
	s0 =	simm.s32 @p2 $0x1  }
0x17: {  	s4 =	simm.s32 $0x1BF5;
	[smem:$0x3FB9] =	sst s0  }
0x18: {  	s0 =	sld [smem:$0x3F9C];
	_ =	swait.ge [sflag:s4], $0x0  }
0x19: {  	s7 =	sld [smem:$0x3F9D]  }
0x1a: {  	s8 =	sadd.s32 $0xFFFFE003, lr  }
0x1b: {  	s9 =	sadd.s32 $0xFFFFFEF7, lr;
	s5 =	simm.s32 $0xFFFFFFFF;
	p2 =	slt.u32 s8, $0xFFFFF086  }
0x1c: {  	p1 =	slt.u32 s9, $0xF7A;
	s5 =	simm.s32 @!p2 $0x0  }
0x1d: {  	s5 =	simm.s32 @p1 $0x1;
	p0 =	seq.s32 s7, s2  }
0x1e: {  	s7 =	smul.u32 @!p0 $0xF7A, s2;
	p2 =	seq.s32 @!p0 s5, $0x0  }
0x1f: {  	s9 =	smul.u32 $0xF7A, s1;
	s8 =	simm.s32 @!p0 $0x1BF5;
	p2 =	por !p2, p0  }
0x20: {  	[sflag:s8] =	ssyncset.s32 @!p0 $0xFFFFF086;
	s6 =	sadd.s32 @!p0 s3, s7;
	s7 =	simm.s32 @!p0 $0x108  }
0x21: {  	s3 =	sadd.s32 s3, s9;
	s6 =	sadd.s32 @!p0 $0x88, s6;
	s7 =	simm.s32 @p2 $0x1082  }
0x22: {  	[simem:s7], [sflag:s8] =	dma.local @!p0 [hbm:s6], $0xF7A  }
0x23: {  	s9 =	sor.u32 $0xD0000000, s2;
	s6 =	simm.s32 $0x108;
	_ =	swait.ge @!p0 [sflag:s8], $0x0  }
0x24: {  	s3 =	sadd.s32 $0x88, s3;
	s6 =	simm.s32 @!p1 $0x1082;
	[sflag:s4] =	ssyncset.s32 $0xFFFFF086  }
0x25: {  	[simem:s6], [sflag:s4] =	dma.local [hbm:s3], $0xF7A  }
0x26: {  	[smem:$0x3F9D] =	sst s1;
	(tag) =	ssettag s2;
	_ =	strace s9  }
0x27: {  	s1 =	sld [smem:$0x3FAD]  }
0x28: {  	s2 =	sld [smem:$0x3FAE]  }
0x29: {  	s4 =	sld [smem:$0x3FB0]  }
0x2a: {  	p0 =	seq.s32 s5, $0x0;
	s5 =	sld [smem:$0x3FB1]  }
0x2b: {  	s6 =	sld [smem:$0x3FB2]  }
0x2c: {  	s7 =	sld [smem:$0x3FB3]  }
0x2d: {  	s3 =	simm.s32 $0x108;
	s8 =	sld [smem:$0x3FB4]  }
0x2e: {  	s3 =	simm.s32 @!p0 $0x1082;
	s9 =	sld [smem:$0x3FB5]  }
0x2f: {  	lr =	sadd.s32 s0, s3;
	s0 =	sld [smem:$0x3FAC]  }
0x30: {  	s3 =	sld [smem:$0x3FAF]  }
0x31: {  	[smem:$0x3FB8] =	sst s10  }
0x32: {  	s10 =	sld [smem:$0x3FB6];
	_ =	sdelay $0x3  }
0x33: {  	p0 =	seq.s32 s10, $0x1;
	s10 =	sld [smem:$0x3FB8];
	_ =	sdelay $0x3  }
0x34: {  	[smem:$0x3FB8] =	sst s10  }
0x35: {  	s10 =	sld [smem:$0x3FB7];
	_ =	sdelay $0x3  }
0x36: {  	p1 =	seq.s32 s10, $0x1;
	s10 =	sld [smem:$0x3FB8];
	_ =	sdelay $0x3  }
0x37: {  	[smem:$0x3FB8] =	sst s10  }
0x38: {  	s10 =	sld [smem:$0x3FB9]  }
0x39: {  	_ = 	snop;
	(pc) =	sbr.ind lr, $3  }
0x3a: {  	_ = 	snop  }
0x3b: {  	_ = 	snop  }
0x3c: {  	p2 =	seq.s32 s10, $0x1;
	s10 =	sld [smem:$0x3FB8]  }
0x3d: {  	_ =	shalt  }
0x3e: {  	_ =	shalt  }
0x3f: {  	_ =	shalt  }
0x40: {  	_ =	shalt  }
0x41: {  	_ =	shalt  }
0x42: {  	_ =	shalt  }
0x43: {  	_ =	shalt  }
0x44: {  	_ =	shalt  }
0x45: {  	_ =	shalt  }
0x46: {  	_ =	shalt  }
0x47: {  	_ =	shalt  }
0x48: {  	_ =	shalt  }
0x49: {  	_ =	shalt  }
0x4a: {  	_ =	shalt  }
0x4b: {  	_ =	shalt  }
0x4c: {  	_ =	shalt  }
0x4d: {  	_ =	shalt  }
0x4e: {  	_ =	shalt  }
0x4f: {  	_ =	shalt  }
0x50: {  	_ =	shalt  }
0x51: {  	_ =	shalt  }
0x52: {  	_ =	shalt  }
0x53: {  	_ =	shalt  }
0x54: {  	_ =	shalt  }
0x55: {  	_ =	shalt  }
0x56: {  	_ =	shalt  }
0x57: {  	_ =	shalt  }
0x58: {  	_ =	shalt  }
0x59: {  	_ =	shalt  }
0x5a: {  	_ =	shalt  }
0x5b: {  	_ =	shalt  }
0x5c: {  	_ =	shalt  }
0x5d: {  	_ =	shalt  }
0x5e: {  	_ =	shalt  }
0x5f: {  	_ =	shalt  }
0x60: {  	_ =	shalt  }
0x61: {  	_ =	shalt  }
0x62: {  	_ =	shalt  }
0x63: {  	_ =	shalt  }
0x64: {  	_ =	shalt  }
0x65: {  	_ =	shalt  }
0x66: {  	_ =	shalt  }
0x67: {  	_ =	shalt  }
0x68: {  	_ =	shalt  }
0x69: {  	_ =	shalt  }
0x6a: {  	_ =	shalt  }
0x6b: {  	_ =	shalt  }
0x6c: {  	_ =	shalt  }
0x6d: {  	_ =	shalt  }
0x6e: {  	_ =	shalt  }
0x6f: {  	_ =	shalt  }
0x70: {  	_ =	shalt  }
0x71: {  	_ =	shalt  }
0x72: {  	_ =	shalt  }
0x73: {  	_ =	shalt  }
0x74: {  	_ =	shalt  }
0x75: {  	_ =	shalt  }
0x76: {  	_ =	shalt  }
0x77: {  	_ =	shalt  }
0x78: {  	_ =	shalt  }
0x79: {  	_ =	shalt  }
0x7a: {  	_ =	shalt  }
0x7b: {  	_ =	shalt  }
0x7c: {  	_ =	shalt  }
0x7d: {  	_ =	shalt  }
0x7e: {  	_ =	shalt  }
0x7f: {  	_ =	shalt  }
0x80: {  	_ =	shalt  }
0x81: {  	_ =	shalt  }
0x82: {  	_ =	shalt  }
0x83: {  	_ =	shalt  }
0x84: {  	_ =	shalt  }
0x85: {  	_ =	shalt  }
0x86: {  	_ =	shalt  }
0x87: {  	_ =	shalt  }
.Lfunc_end0:
.L_simem_size_0:
called_computation_lowered:
.L_overlay_start_0:
0x88: {  	s2 =	sld [smem:$0x3FD9]  }
0x89: {  	s3 =	sld [smem:$0x3FFE];
	_ =	sdelay $0x1  }
0x8a: {  	s1 =	srdreg.scid  }
0x8b: {  	s0 =	sand.u32 $0x1, s1  }
0x8c: {  	s17 =	sshll.u32 s0, $0xA;
	s2 =	sadd.s32 s3, s2  }
0x8d: {  	s2 =	sadd.s32 s2, s17  }
0x8e: {  	[smem:$0x3FC4] =	sst s2  }
0x8f: {  	_ = 	snop  }
0x90: {  	s2 =	sld [smem:$0x3FD0];
	(tm) =	ssettm $0x1  }
0x91: {  	s18 =	sld [smem:$0x3FFB];
	_ =	sdelay $0x3  }
0x92: {  	_ =	strace s18  }
0x93: {  	s3 =	sld [smem:$0x3FFC];
	_ =	sdelay $0x3  }
0x94: {  	_ =	strace s3  }
0x95: {  	s3 =	sld [smem:$0x3FFD];
	_ =	sdelay $0x3  }
0x96: {  	_ =	strace s3  }
0x97: {  	_ =	strace $0x8FFFFFFF  }
0x98: {  	s19 =	sld [smem:$0x3FDB];
	_ =	sdelay $0x1  }
0x99: {  	s4 =	simm.s32 $_scs_section_size  }
0x9a: {  	s5 =	simm.s32 $_size__tile_overlayer_lowered;
	s6 =	simm.s32 $_tile_overlayer_lowered  }
0x9b: {  	s22 =	simm.s32 $0x1BFF;
	s21 =	sshll.u32 s6, $0x1;
	s3 =	sadd.s32 s4, s19  }
0x9c: {  	s7 =	simm.s32 $0x0;
	s20 =	sshll.u32 s5, $0x1;
	s5 =	sadd.s32 s21, s3  }
0x9d: {  	[timem:s7], [sflag:s22] =	dma.local [hbm:s5], s20  }
0x9e: {  	_ =	swait.ge [sflag:s22], s20  }
0x9f: {  	s4 =	ssub.s32 $0x0, s20;
	[sflag:s22] =	ssyncset.done $0x0  }
0xa0: {  	[sflag:s22] =	ssyncadd.s32 s4;
	_ =	sdelay $0x1  }
0xa1: {  	s23 =	simm.s32 $0x1B8B  }
0xa2: {  	_ =	swait.ge [sflag:s23], $0x1  }
0xa3: {  	[sflag:s23] =	ssyncset.done $0x0  }
0xa4: {  	s25 =	simm.s32 $0x1B8E;
	s24 =	sld [smem:$0x3FFE];
	[sflag:s23] =	ssyncadd.s32 $0xFFFFFFFF  }
0xa5: {  	s26 =	simm.s32 $execute0_lowered;
	[smem:$0x3FD2] =	sst s25  }
0xa6: {  	s5 =	sshll.u32 s26, $0x1;
	_ =	strace $0x80000046;
	[dreg:$0x1] =	wrdreg $0xFFFFFFFF  }
0xa7: {  	s28 =	simm.s32 $_size_execute0_lowered;
	s3 =	sadd.s32 s3, s5;
	[dreg:$0x0] =	wrdreg $0x0  }
0xa8: {  	s5 =	sshll.u32 s28, $0x1;
	[dreg:$0x2] =	wrdreg s3  }
0xa9: {  	[dreg:$0x3] =	wrdreg s5  }
0xaa: {  	[dreg:$0x4] =	wrdreg $0xC0  }
0xab: {  	_ =	task [dreg:s7], $0x5FFFF  }
0xac: {  	[dreg:$0x1] =	wrdreg $0xFFFFFFFF  }
0xad: {  	[dreg:$0x0] =	wrdreg $0x60  }
0xae: {  	[dreg:$0x2] =	wrdreg s24  }
0xaf: {  	[dreg:$0x3] =	wrdreg s2  }
0xb0: {  	[dreg:$0x4] =	wrdreg $0x9  }
0xb1: {  	_ =	task.clear_ibuf [dreg:s7], $0x5FFFF;
	_ =	strace $0x90000046  }
0xb2: {  	s29 =	simm.s32 $0x9;
	_ =	strace $0x80000048  }
0xb3: {  	_ =	swait.ge [sflag:s29], $0x1  }
0xb4: {  	[sflag:s29] =	ssyncadd.s32 $0xFFFFFFFF  }
0xb5: {  	_ =	strace $0x90000048  }
0xb6: {  	_ =	sfence  }
0xb7: {  	s30 =	sld [smem:$0x0];
	_ =	sdelay $0x2  }
0xb8: {  	s31 =	sshll.u32 s1, $0xD;
	s1 =	sshrl.u32 s1, $0x2  }
0xb9: {  	s3 =	sand.u32 $0x4000, s31;
	s1 =	sadd.s32 s1, s30  }
0xba: {  	s0 =	sor.u32 s3, s0;
	s1 =	sshll.u32 s1, $0x11  }
0xbb: {  	s0 =	sor.u32 s1, s0  }
0xbc: {  	s0 =	sadd.s32 $0x8F2B, s0  }
0xbd: {  	[sflag:s0] =	ssyncadd.remote.s32 $0x1  }
0xbe: {  	_ =	sfence.sel $0xFFFF  }
0xbf: {  	[dreg:$0x0] =	wrdreg $0xFFFFFFFF;
	(pc) =	sbr.abs _section_cstart, $3  }
0xc0: {  	[dreg:$0x1] =	wrdreg $0xFFFFFFFF  }
0xc1: {  	_ =	task.clear_ibuf [dreg:s7], $0x2FFFF;
	_ =	strace $0x9FFFFFFF  }
0xc2: {  	(tm) =	ssettm $0x7FFFFFFF  }
0xc3: {  	_ =	shalt  }
tec
execute0_lowered:
.L_overlay_start_1:
0x0: {  	(tag) =	ssettag $0x1  }
0x1: {  	s3 =	rddreg [dreg:$0x0];
	s1 =	srdreg.scid  }
0x2: {  	s0 =	stileid.u32;
	s5 =	rddreg [dreg:$0x1]  }
0x3: {  	s2 =	simm.s32 $0x0;
	s9 =	simm.s32 $0x6400;
	s10 =	simm.s32 $0x60  }
0x4: {  	s11 =	simm.s32 $0x7E00;
	s12 =	simm.s32 $0xC8;
	s13 =	simm.s32 $0x9600  }
0x5: {  	s14 =	simm.s32 $0x130;
	s15 =	simm.s32 $0xB000;
	s16 =	simm.s32 $0x1  }
0x6: {  	s17 =	simm.s32 $0x2;
	s18 =	simm.s32 $0xC800;
	s19 =	simm.s32 $0x0  }
0x7: {  	s4 =	sand.u32 $0x1, s1;
	s6 =	sshll.u32 s0, $0x1;
	s1 =	rddreg [dreg:$0x2]  }
0x8: {  	[smem:$0x7FF] =	sst s2;
	s6 =	sor.u32 s4, s6;
	s4 =	ssub.s32 $0x2, s4  }
0x9: {  	s7 =	smul.u32 $0xC80, s6;
	s8 =	sshrl.u32 s4, $0x1;
	s6 =	sshll.u32 s6, $0xA  }
0xa: {  	_ =	strace $0x80000047;
	s8 =	ssub.s32 s4, s8;
	s5 =	sadd.s32 s5, s6  }
0xb: {  	s7 =	sadd.s32 s7, s3;
	s3 =	sadd.s32 $0x19800, s3;
	s6 =	smax.u32 s8, $0x1  }
0xc: {  	s8 =	simm.s32 $0x68;
	s4 =	sadd.s32 $0x800, s7;
	s7 =	simm.s32 $0x3  }
.LBB2_1:
0xd: {  	[tilespmem:s2], [sflag:$0x3] =	stream.linear.gather [hbm4b:s4+s2], $0x6400, $0x38;
	[tilespmem:$0xE800] =	vst v63  }
0xe: {  	_ =	swait.ge [sflag:s7], $0x6400  }
0xf: {  	[sflag:s7] =	ssyncset.done $0x0  }
0x10: {  	s20 =	simm.s32 $0x0;
	s21 =	simm.s32 $0x40;
	[sflag:s7] =	ssyncadd.s32 $0xFFFF9C00  }
.LBB2_2:
0x11: {  	p0 =	sne.s32 s21, $0x18FC0;
	v0 =	vld [tilespmem:s20+$0x0];
	_ =	sdelay $0x1  }
.Ltmp0:
0x12: {  	(pc) =	sbr.rel @p0 .LBB2_2-.Ltmp0, $3  }
0x13: {  	_ =	sdelay $0x1  }
0x14: {  	v0 =	vshll.u32 v0, $0x1  }
0x15: {  	[tilespmem:s20+$0x0] =	vst v0;
	s20 =	sshra.s32 s21, $0x2;
	s21 =	sadd.s32 $0x40, s21  }
0x16: {  	v0 =	vld [tilespmem:s20+$0x0];
	_ =	sdelay $0x4  }
0x17: {  	v0 =	vshll.u32 v0, $0x1  }
0x18: {  	[tilespmem:s20+$0x0] =	vst v0;
	s20 =	simm.s32 $0x0  }
0x19: {  	[tilespmem:s9], [sflag:$0x1] =	stream.indirect.gather [hbm4b:s3+s8], $0x40, s20, s8, $0xb8;
	[tilespmem:$0xE800] =	vst v63  }
0x1a: {  	_ = 	snop  }
0x1b: {  	[tilespmem:s11], [sflag:$0x1] =	stream.indirect.gather [hbm4b:s3+s10], $0x40, s8, s10, $0xb8;
	[tilespmem:$0xE800] =	vst v63  }
0x1c: {  	_ = 	snop  }
0x1d: {  	[tilespmem:s13], [sflag:$0x2] =	stream.indirect.gather [hbm4b:s3+s8], $0x40, s12, s8, $0xb8;
	[tilespmem:$0xE800] =	vst v63  }
0x1e: {  	_ = 	snop  }
0x1f: {  	[tilespmem:s15], [sflag:$0x2] =	stream.indirect.gather [hbm4b:s3+s10], $0x40, s14, s10, $0xb8;
	[tilespmem:$0xE800] =	vst v63  }
.LBB2_4:
0x20: {  	_ =	swait.ge [sflag:s16], $0x1A00  }
0x21: {  	[sflag:s16] =	ssyncset.done $0x0  }
0x22: {  	[sflag:s16] =	ssyncadd.s32 $0xFFFFE600  }
0x23: {  	_ =	swait.ge [sflag:s16], $0x1800  }
0x24: {  	[sflag:s16] =	ssyncset.done $0x0  }
0x25: {  	s21 =	simm.s32 $0x0;
	[sflag:s16] =	ssyncadd.s32 $0xFFFFE800  }
0x26: {  	v0 =	vld [tilespmem:s21+$0x65C0]  }
0x27: {  	v1 =	vld [tilespmem:s21+$0x65D0]  }
0x28: {  	v2 =	vld [tilespmem:s21+$0x6580]  }
0x29: {  	v3 =	vld [tilespmem:s21+$0x6590]  }
0x2a: {  	v4 =	vld [tilespmem:s21+$0x6540]  }
0x2b: {  	v5 =	vld [tilespmem:s21+$0x6550]  }
0x2c: {  	v6 =	vld [tilespmem:s21+$0x6500]  }
0x2d: {  	v7 =	vld [tilespmem:s21+$0x6510]  }
0x2e: {  	v9 =	vld [tilespmem:s21+$0x64C0]  }
0x2f: {  	v8 =	vld [tilespmem:s21+$0x64D0]  }
0x30: {  	v11 =	vld [tilespmem:s21+$0x6480]  }
0x31: {  	v10 =	vld [tilespmem:s21+$0x6490]  }
0x32: {  	v17 =	vld [tilespmem:s21+$0x6440]  }
0x33: {  	v16 =	vld [tilespmem:s21+$0x6450]  }
0x34: {  	v19 =	vld [tilespmem:s21+$0x6400]  }
0x35: {  	v12 =	vimm.f32 $0.0e+00;
	v20 =	vld [tilespmem:s21+$0x6410]  }
0x36: {  	s22 =	simm.s32 $0x800;
	v15 =	vimm.f32 $0.0e+00;
	v14 =	vimm.f32 $0.0e+00;
	v13 =	vimm.f32 $0.0e+00;
	v18 =	vld [tilespmem:s21+$0x6420]  }
.LBB2_5:
0x37: {  	p0 =	sne.s32 s22, $0xC000;
	v21 =	vld [tilespmem:s21+$0x6430]  }
0x38: {  	v22 =	vld [tilespmem:s21+$0x6460]  }
0x39: {  	v23 =	vld [tilespmem:s21+$0x6470]  }
0x3a: {  	v24 =	vld [tilespmem:s21+$0x64A0]  }
0x3b: {  	v12 =	vadd.f32 v19, v12;
	v15 =	vadd.f32 v20, v15;
	v19 =	vld [tilespmem:s21+$0x64B0]  }
0x3c: {  	v14 =	vadd.f32 v18, v14;
	v13 =	vadd.f32 v21, v13;
	v18 =	vld [tilespmem:s21+$0x64E0]  }
0x3d: {  	v12 =	vadd.f32 v17, v12;
	v15 =	vadd.f32 v16, v15;
	v16 =	vld [tilespmem:s21+$0x64F0]  }
0x3e: {  	v14 =	vadd.f32 v22, v14;
	v13 =	vadd.f32 v23, v13;
	v17 =	vld [tilespmem:s21+$0x6520]  }
0x3f: {  	v11 =	vadd.f32 v11, v12;
	v10 =	vadd.f32 v10, v15;
	v12 =	vld [tilespmem:s21+$0x6530]  }
0x40: {  	v14 =	vadd.f32 v24, v14;
	v13 =	vadd.f32 v19, v13;
	v15 =	vld [tilespmem:s21+$0x6560]  }
0x41: {  	v9 =	vadd.f32 v9, v11;
	v8 =	vadd.f32 v8, v10;
	v10 =	vld [tilespmem:s21+$0x6570]  }
0x42: {  	v11 =	vadd.f32 v18, v14;
	v13 =	vadd.f32 v16, v13;
	v14 =	vld [tilespmem:s21+$0x65A0]  }
0x43: {  	v6 =	vadd.f32 v6, v9;
	v7 =	vadd.f32 v7, v8;
	v8 =	vld [tilespmem:s21+$0x65B0]  }
0x44: {  	v9 =	vadd.f32 v17, v11;
	v11 =	vadd.f32 v12, v13;
	v13 =	vld [tilespmem:s21+$0x65E0]  }
0x45: {  	v4 =	vadd.f32 v4, v6;
	v5 =	vadd.f32 v5, v7;
	v6 =	vld [tilespmem:s21+$0x65F0];
	s21 =	sshra.s32 s22, $0x2  }
0x46: {  	v9 =	vadd.f32 v15, v9;
	v7 =	vld [tilespmem:s21+$0x65C0];
	v10 =	vadd.f32 v10, v11  }
0x47: {  	v4 =	vadd.f32 v2, v4;
	v5 =	vadd.f32 v3, v5;
	v11 =	vld [tilespmem:s21+$0x65D0]  }
0x48: {  	v9 =	vadd.f32 v14, v9;
	v2 =	vld [tilespmem:s21+$0x6580];
	v8 =	vadd.f32 v8, v10  }
0x49: {  	v12 =	vadd.f32 v0, v4;
	v15 =	vadd.f32 v1, v5;
	v3 =	vld [tilespmem:s21+$0x6590]  }
0x4a: {  	v14 =	vadd.f32 v13, v9;
	v4 =	vld [tilespmem:s21+$0x6540];
	v13 =	vadd.f32 v6, v8  }
0x4b: {  	v5 =	vld [tilespmem:s21+$0x6550];
	v0 =	vmov v7  }
0x4c: {  	v6 =	vld [tilespmem:s21+$0x6500];
	v1 =	vmov v11  }
0x4d: {  	v7 =	vld [tilespmem:s21+$0x6510]  }
0x4e: {  	v9 =	vld [tilespmem:s21+$0x64C0]  }
0x4f: {  	v8 =	vld [tilespmem:s21+$0x64D0]  }
0x50: {  	v11 =	vld [tilespmem:s21+$0x6480]  }
0x51: {  	v10 =	vld [tilespmem:s21+$0x6490]  }
.Ltmp1:
0x52: {  	v17 =	vld [tilespmem:s21+$0x6440];
	(pc) =	sbr.rel @p0 .LBB2_5-.Ltmp1, $4  }
0x53: {  	v16 =	vld [tilespmem:s21+$0x6450]  }
0x54: {  	v19 =	vld [tilespmem:s21+$0x6400]  }
0x55: {  	v20 =	vld [tilespmem:s21+$0x6410]  }
0x56: {  	s22 =	sadd.s32 $0x800, s22;
	v18 =	vld [tilespmem:s21+$0x6420]  }
0x57: {  	v21 =	vld [tilespmem:s21+$0x6430]  }
0x58: {  	v22 =	vld [tilespmem:s21+$0x6460]  }
0x59: {  	v23 =	vld [tilespmem:s21+$0x6470];
	v12 =	vadd.f32 v19, v12  }
0x5a: {  	v19 =	vld [tilespmem:s21+$0x64A0];
	v15 =	vadd.f32 v20, v15  }
0x5b: {  	v20 =	vld [tilespmem:s21+$0x64B0];
	v14 =	vadd.f32 v18, v14;
	v12 =	vadd.f32 v17, v12  }
0x5c: {  	v17 =	vld [tilespmem:s21+$0x64E0];
	v13 =	vadd.f32 v21, v13;
	v15 =	vadd.f32 v16, v15  }
0x5d: {  	v16 =	vld [tilespmem:s21+$0x64F0];
	v14 =	vadd.f32 v22, v14;
	v11 =	vadd.f32 v11, v12  }
0x5e: {  	v12 =	vadd.f32 v23, v13;
	v13 =	vld [tilespmem:s21+$0x6520];
	v10 =	vadd.f32 v10, v15  }
0x5f: {  	v15 =	vld [tilespmem:s21+$0x6530];
	v14 =	vadd.f32 v19, v14;
	v9 =	vadd.f32 v9, v11  }
0x60: {  	v11 =	vadd.f32 v20, v12;
	v12 =	vld [tilespmem:s21+$0x6560];
	v8 =	vadd.f32 v8, v10  }
0x61: {  	v10 =	vld [tilespmem:s21+$0x6570];
	v14 =	vadd.f32 v17, v14;
	v6 =	vadd.f32 v6, v9  }
0x62: {  	v9 =	vadd.f32 v16, v11;
	v11 =	vld [tilespmem:s21+$0x65A0];
	v7 =	vadd.f32 v7, v8  }
0x63: {  	v8 =	vld [tilespmem:s21+$0x65B0];
	v13 =	vadd.f32 v13, v14;
	v4 =	vadd.f32 v4, v6  }
0x64: {  	v6 =	vadd.f32 v15, v9;
	v9 =	vld [tilespmem:s21+$0x65E0];
	v5 =	vadd.f32 v5, v7  }
0x65: {  	v7 =	vld [tilespmem:s21+$0x65F0];
	v12 =	vadd.f32 v12, v13;
	v2 =	vadd.f32 v2, v4  }
0x66: {  	v4 =	vadd.f32 v10, v6;
	v3 =	vadd.f32 v3, v5  }
0x67: {  	s30 =	sshll.u32 s20, $0x7;
	v5 =	vadd.f32 v11, v12;
	v0 =	vadd.f32 v0, v2  }
0x68: {  	s21 =	sand.u32 $0x3FFFFF80, s30;
	v2 =	vadd.f32 v8, v4;
	v1 =	vadd.f32 v1, v3  }
0x69: {  	s22 =	smul.u32 $0x640, s20;
	v3 =	vadd.f32 v9, v5;
	[tilespmem:s21+$0xC800] =	vst v0  }
0x6a: {  	v0 =	vadd.f32 v7, v2;
	[tilespmem:s21+$0xC810] =	vst v1  }
0x6b: {  	s22 =	sshra.s32 s22, $0x2;
	[tilespmem:s21+$0xC820] =	vst v3  }
0x6c: {  	s23 =	sadd.s32 $0x190, s22;
	[tilespmem:s21+$0xC830] =	vst v0  }
0x6d: {  	[tilespmem:s9], [sflag:$0x1] =	stream.indirect.gather [hbm4b:s3+s8], $0x40, s23, s8, $0xb8;
	[tilespmem:$0xE800] =	vst v63  }
0x6e: {  	s31 =	sadd.s32 $0x1F8, s22  }
0x6f: {  	[tilespmem:s11], [sflag:$0x1] =	stream.indirect.gather [hbm4b:s3+s10], $0x40, s31, s10, $0xb8;
	[tilespmem:$0xE800] =	vst v63  }
0x70: {  	_ =	swait.ge [sflag:s17], $0x1A00  }
0x71: {  	[sflag:s17] =	ssyncset.done $0x0  }
0x72: {  	[sflag:s17] =	ssyncadd.s32 $0xFFFFE600  }
0x73: {  	_ =	swait.ge [sflag:s17], $0x1800  }
0x74: {  	[sflag:s17] =	ssyncset.done $0x0  }
0x75: {  	s23 =	simm.s32 $0x0;
	[sflag:s17] =	ssyncadd.s32 $0xFFFFE800  }
0x76: {  	v0 =	vld [tilespmem:s23+$0x97C0]  }
0x77: {  	v1 =	vld [tilespmem:s23+$0x97D0]  }
0x78: {  	v2 =	vld [tilespmem:s23+$0x9780]  }
0x79: {  	v3 =	vld [tilespmem:s23+$0x9790]  }
0x7a: {  	v4 =	vld [tilespmem:s23+$0x9740]  }
0x7b: {  	v5 =	vld [tilespmem:s23+$0x9750]  }
0x7c: {  	v6 =	vld [tilespmem:s23+$0x9700]  }
0x7d: {  	v7 =	vld [tilespmem:s23+$0x9710]  }
0x7e: {  	v9 =	vld [tilespmem:s23+$0x96C0]  }
0x7f: {  	v8 =	vld [tilespmem:s23+$0x96D0]  }
0x80: {  	v11 =	vld [tilespmem:s23+$0x9680]  }
0x81: {  	v10 =	vld [tilespmem:s23+$0x9690]  }
0x82: {  	v17 =	vld [tilespmem:s23+$0x9640]  }
0x83: {  	v16 =	vld [tilespmem:s23+$0x9650]  }
0x84: {  	v19 =	vld [tilespmem:s23+$0x9600]  }
0x85: {  	v14 =	vimm.f32 $0.0e+00;
	v20 =	vld [tilespmem:s23+$0x9610]  }
0x86: {  	s24 =	simm.s32 $0x800;
	v15 =	vimm.f32 $0.0e+00;
	v13 =	vimm.f32 $0.0e+00;
	v12 =	vimm.f32 $0.0e+00;
	v18 =	vld [tilespmem:s23+$0x9620]  }
.LBB2_7:
0x87: {  	p0 =	sne.s32 s24, $0xC000;
	v21 =	vld [tilespmem:s23+$0x9630]  }
0x88: {  	v22 =	vld [tilespmem:s23+$0x9660]  }
0x89: {  	v23 =	vld [tilespmem:s23+$0x9670]  }
0x8a: {  	v24 =	vld [tilespmem:s23+$0x96A0]  }
0x8b: {  	v12 =	vadd.f32 v19, v12;
	v15 =	vadd.f32 v20, v15;
	v19 =	vld [tilespmem:s23+$0x96B0]  }
0x8c: {  	v14 =	vadd.f32 v18, v14;
	v13 =	vadd.f32 v21, v13;
	v18 =	vld [tilespmem:s23+$0x96E0]  }
0x8d: {  	v12 =	vadd.f32 v17, v12;
	v15 =	vadd.f32 v16, v15;
	v16 =	vld [tilespmem:s23+$0x96F0]  }
0x8e: {  	v14 =	vadd.f32 v22, v14;
	v13 =	vadd.f32 v23, v13;
	v17 =	vld [tilespmem:s23+$0x9720]  }
0x8f: {  	v11 =	vadd.f32 v11, v12;
	v10 =	vadd.f32 v10, v15;
	v12 =	vld [tilespmem:s23+$0x9730]  }
0x90: {  	v14 =	vadd.f32 v24, v14;
	v13 =	vadd.f32 v19, v13;
	v15 =	vld [tilespmem:s23+$0x9760]  }
0x91: {  	v9 =	vadd.f32 v9, v11;
	v8 =	vadd.f32 v8, v10;
	v10 =	vld [tilespmem:s23+$0x9770]  }
0x92: {  	v11 =	vadd.f32 v18, v14;
	v13 =	vadd.f32 v16, v13;
	v14 =	vld [tilespmem:s23+$0x97A0]  }
0x93: {  	v6 =	vadd.f32 v6, v9;
	v7 =	vadd.f32 v7, v8;
	v8 =	vld [tilespmem:s23+$0x97B0]  }
0x94: {  	v9 =	vadd.f32 v17, v11;
	v11 =	vadd.f32 v12, v13;
	v13 =	vld [tilespmem:s23+$0x97E0]  }
0x95: {  	v4 =	vadd.f32 v4, v6;
	v5 =	vadd.f32 v5, v7;
	v6 =	vld [tilespmem:s23+$0x97F0];
	s23 =	sshra.s32 s24, $0x2  }
0x96: {  	v9 =	vadd.f32 v15, v9;
	v7 =	vld [tilespmem:s23+$0x97C0];
	v10 =	vadd.f32 v10, v11  }
0x97: {  	v4 =	vadd.f32 v2, v4;
	v5 =	vadd.f32 v3, v5;
	v11 =	vld [tilespmem:s23+$0x97D0]  }
0x98: {  	v9 =	vadd.f32 v14, v9;
	v2 =	vld [tilespmem:s23+$0x9780];
	v8 =	vadd.f32 v8, v10  }
0x99: {  	v12 =	vadd.f32 v0, v4;
	v15 =	vadd.f32 v1, v5;
	v3 =	vld [tilespmem:s23+$0x9790]  }
0x9a: {  	v14 =	vadd.f32 v13, v9;
	v4 =	vld [tilespmem:s23+$0x9740];
	v13 =	vadd.f32 v6, v8  }
0x9b: {  	v5 =	vld [tilespmem:s23+$0x9750];
	v0 =	vmov v7  }
0x9c: {  	v6 =	vld [tilespmem:s23+$0x9700];
	v1 =	vmov v11  }
0x9d: {  	v7 =	vld [tilespmem:s23+$0x9710]  }
0x9e: {  	v9 =	vld [tilespmem:s23+$0x96C0]  }
0x9f: {  	v8 =	vld [tilespmem:s23+$0x96D0]  }
0xa0: {  	v11 =	vld [tilespmem:s23+$0x9680]  }
0xa1: {  	v10 =	vld [tilespmem:s23+$0x9690]  }
.Ltmp2:
0xa2: {  	v17 =	vld [tilespmem:s23+$0x9640];
	(pc) =	sbr.rel @p0 .LBB2_7-.Ltmp2, $4  }
0xa3: {  	v16 =	vld [tilespmem:s23+$0x9650]  }
0xa4: {  	v19 =	vld [tilespmem:s23+$0x9600]  }
0xa5: {  	v20 =	vld [tilespmem:s23+$0x9610]  }
0xa6: {  	s24 =	sadd.s32 $0x800, s24;
	v18 =	vld [tilespmem:s23+$0x9620]  }
0xa7: {  	v21 =	vld [tilespmem:s23+$0x9630]  }
0xa8: {  	v22 =	vld [tilespmem:s23+$0x9660]  }
0xa9: {  	v23 =	vld [tilespmem:s23+$0x9670];
	v12 =	vadd.f32 v19, v12  }
0xaa: {  	v43 =	vld [tilespmem:s23+$0x96A0];
	v15 =	vadd.f32 v20, v15  }
0xab: {  	v44 =	vld [tilespmem:s23+$0x96B0];
	v14 =	vadd.f32 v18, v14;
	v12 =	vadd.f32 v17, v12  }
0xac: {  	v45 =	vld [tilespmem:s23+$0x96E0];
	v13 =	vadd.f32 v21, v13;
	v15 =	vadd.f32 v16, v15  }
0xad: {  	v46 =	vld [tilespmem:s23+$0x96F0];
	v14 =	vadd.f32 v22, v14;
	v11 =	vadd.f32 v11, v12  }
0xae: {  	v48 =	vld [tilespmem:s23+$0x9720];
	v47 =	vadd.f32 v23, v13;
	v10 =	vadd.f32 v10, v15  }
0xaf: {  	v49 =	vld [tilespmem:s23+$0x9730];
	v14 =	vadd.f32 v43, v14;
	v9 =	vadd.f32 v9, v11  }
0xb0: {  	v51 =	vld [tilespmem:s23+$0x9760];
	v50 =	vadd.f32 v44, v47;
	v8 =	vadd.f32 v8, v10  }
0xb1: {  	v52 =	vld [tilespmem:s23+$0x9770];
	v14 =	vadd.f32 v45, v14;
	v6 =	vadd.f32 v6, v9  }
0xb2: {  	v54 =	vld [tilespmem:s23+$0x97A0];
	v53 =	vadd.f32 v46, v50;
	v7 =	vadd.f32 v7, v8  }
0xb3: {  	v55 =	vld [tilespmem:s23+$0x97B0];
	v13 =	vadd.f32 v48, v14;
	v4 =	vadd.f32 v4, v6  }
0xb4: {  	v57 =	vld [tilespmem:s23+$0x97E0];
	v56 =	vadd.f32 v49, v53;
	v5 =	vadd.f32 v5, v7  }
0xb5: {  	v58 =	vld [tilespmem:s23+$0x97F0];
	v12 =	vadd.f32 v51, v13;
	v2 =	vadd.f32 v2, v4  }
0xb6: {  	v59 =	vadd.f32 v52, v56;
	v3 =	vadd.f32 v3, v5  }
0xb7: {  	v60 =	vadd.f32 v54, v12;
	v0 =	vadd.f32 v0, v2  }
0xb8: {  	v61 =	vadd.f32 v55, v59;
	v1 =	vadd.f32 v1, v3  }
0xb9: {  	s20 =	sadd.s32 $0x1, s20;
	v62 =	vadd.f32 v57, v60;
	[tilespmem:s21+$0xC840] =	vst v0  }
0xba: {  	p0 =	sne.s32 s20, $0x3F;
	v63 =	vadd.f32 v58, v61;
	[tilespmem:s21+$0xC850] =	vst v1  }
.Ltmp3:
0xbb: {  	[tilespmem:s21+$0xC860] =	vst v62;
	(pc) =	sbr.rel @p0 .LBB2_4-.Ltmp3, $4  }
0xbc: {  	s30 =	sadd.s32 $0x258, s22;
	[tilespmem:s21+$0xC870] =	vst v63  }
0xbd: {  	[tilespmem:s13], [sflag:$0x2] =	stream.indirect.gather [hbm4b:s3+s8], $0x40, s30, s8, $0xb8;
	[tilespmem:$0xE800] =	vst v63  }
0xbe: {  	s31 =	sadd.s32 $0x2C0, s22  }
0xbf: {  	[tilespmem:s15], [sflag:$0x2] =	stream.indirect.gather [hbm4b:s3+s10], $0x40, s31, s10, $0xb8;
	[tilespmem:$0xE800] =	vst v63  }
0xc0: {  	_ =	swait.ge [sflag:s16], $0x1A00  }
0xc1: {  	[sflag:s16] =	ssyncset.done $0x0  }
0xc2: {  	[sflag:s16] =	ssyncadd.s32 $0xFFFFE600  }
0xc3: {  	_ =	swait.ge [sflag:s16], $0x1800  }
0xc4: {  	[sflag:s16] =	ssyncset.done $0x0  }
0xc5: {  	s20 =	simm.s32 $0x0;
	[sflag:s16] =	ssyncadd.s32 $0xFFFFE800  }
0xc6: {  	v0 =	vld [tilespmem:s20+$0x65C0]  }
0xc7: {  	v1 =	vld [tilespmem:s20+$0x65D0]  }
0xc8: {  	v2 =	vld [tilespmem:s20+$0x6580]  }
0xc9: {  	v3 =	vld [tilespmem:s20+$0x6590]  }
0xca: {  	v4 =	vld [tilespmem:s20+$0x6540]  }
0xcb: {  	v5 =	vld [tilespmem:s20+$0x6550]  }
0xcc: {  	v6 =	vld [tilespmem:s20+$0x6500]  }
0xcd: {  	v7 =	vld [tilespmem:s20+$0x6510]  }
0xce: {  	v9 =	vld [tilespmem:s20+$0x64C0]  }
0xcf: {  	v8 =	vld [tilespmem:s20+$0x64D0]  }
0xd0: {  	v11 =	vld [tilespmem:s20+$0x6480]  }
0xd1: {  	v10 =	vld [tilespmem:s20+$0x6490]  }
0xd2: {  	v17 =	vld [tilespmem:s20+$0x6440]  }
0xd3: {  	v16 =	vld [tilespmem:s20+$0x6450]  }
0xd4: {  	v19 =	vld [tilespmem:s20+$0x6400]  }
0xd5: {  	v12 =	vimm.f32 $0.0e+00;
	v20 =	vld [tilespmem:s20+$0x6410]  }
0xd6: {  	s21 =	simm.s32 $0x800;
	v15 =	vimm.f32 $0.0e+00;
	v14 =	vimm.f32 $0.0e+00;
	v13 =	vimm.f32 $0.0e+00;
	v18 =	vld [tilespmem:s20+$0x6420]  }
.LBB2_10:
0xd7: {  	p0 =	sne.s32 s21, $0xC000;
	v21 =	vld [tilespmem:s20+$0x6430]  }
0xd8: {  	v22 =	vld [tilespmem:s20+$0x6460]  }
0xd9: {  	v23 =	vld [tilespmem:s20+$0x6470]  }
0xda: {  	v24 =	vld [tilespmem:s20+$0x64A0]  }
0xdb: {  	v12 =	vadd.f32 v19, v12;
	v15 =	vadd.f32 v20, v15;
	v19 =	vld [tilespmem:s20+$0x64B0]  }
0xdc: {  	v14 =	vadd.f32 v18, v14;
	v13 =	vadd.f32 v21, v13;
	v18 =	vld [tilespmem:s20+$0x64E0]  }
0xdd: {  	v12 =	vadd.f32 v17, v12;
	v15 =	vadd.f32 v16, v15;
	v16 =	vld [tilespmem:s20+$0x64F0]  }
0xde: {  	v14 =	vadd.f32 v22, v14;
	v13 =	vadd.f32 v23, v13;
	v17 =	vld [tilespmem:s20+$0x6520]  }
0xdf: {  	v11 =	vadd.f32 v11, v12;
	v10 =	vadd.f32 v10, v15;
	v12 =	vld [tilespmem:s20+$0x6530]  }
0xe0: {  	v14 =	vadd.f32 v24, v14;
	v13 =	vadd.f32 v19, v13;
	v15 =	vld [tilespmem:s20+$0x6560]  }
0xe1: {  	v9 =	vadd.f32 v9, v11;
	v8 =	vadd.f32 v8, v10;
	v10 =	vld [tilespmem:s20+$0x6570]  }
0xe2: {  	v11 =	vadd.f32 v18, v14;
	v13 =	vadd.f32 v16, v13;
	v14 =	vld [tilespmem:s20+$0x65A0]  }
0xe3: {  	v6 =	vadd.f32 v6, v9;
	v7 =	vadd.f32 v7, v8;
	v8 =	vld [tilespmem:s20+$0x65B0]  }
0xe4: {  	v9 =	vadd.f32 v17, v11;
	v11 =	vadd.f32 v12, v13;
	v13 =	vld [tilespmem:s20+$0x65E0]  }
0xe5: {  	v4 =	vadd.f32 v4, v6;
	v5 =	vadd.f32 v5, v7;
	v6 =	vld [tilespmem:s20+$0x65F0];
	s20 =	sshra.s32 s21, $0x2  }
0xe6: {  	v9 =	vadd.f32 v15, v9;
	v7 =	vld [tilespmem:s20+$0x65C0];
	v10 =	vadd.f32 v10, v11  }
0xe7: {  	v4 =	vadd.f32 v2, v4;
	v5 =	vadd.f32 v3, v5;
	v11 =	vld [tilespmem:s20+$0x65D0]  }
0xe8: {  	v9 =	vadd.f32 v14, v9;
	v2 =	vld [tilespmem:s20+$0x6580];
	v8 =	vadd.f32 v8, v10  }
0xe9: {  	v12 =	vadd.f32 v0, v4;
	v15 =	vadd.f32 v1, v5;
	v3 =	vld [tilespmem:s20+$0x6590]  }
0xea: {  	v14 =	vadd.f32 v13, v9;
	v4 =	vld [tilespmem:s20+$0x6540];
	v13 =	vadd.f32 v6, v8  }
0xeb: {  	v5 =	vld [tilespmem:s20+$0x6550];
	v0 =	vmov v7  }
0xec: {  	v6 =	vld [tilespmem:s20+$0x6500];
	v1 =	vmov v11  }
0xed: {  	v7 =	vld [tilespmem:s20+$0x6510]  }
0xee: {  	v9 =	vld [tilespmem:s20+$0x64C0]  }
0xef: {  	v8 =	vld [tilespmem:s20+$0x64D0]  }
0xf0: {  	v11 =	vld [tilespmem:s20+$0x6480]  }
0xf1: {  	v10 =	vld [tilespmem:s20+$0x6490]  }
.Ltmp4:
0xf2: {  	v17 =	vld [tilespmem:s20+$0x6440];
	(pc) =	sbr.rel @p0 .LBB2_10-.Ltmp4, $4  }
0xf3: {  	v16 =	vld [tilespmem:s20+$0x6450]  }
0xf4: {  	v19 =	vld [tilespmem:s20+$0x6400]  }
0xf5: {  	v20 =	vld [tilespmem:s20+$0x6410]  }
0xf6: {  	s21 =	sadd.s32 $0x800, s21;
	v18 =	vld [tilespmem:s20+$0x6420]  }
0xf7: {  	v21 =	vld [tilespmem:s20+$0x6430]  }
0xf8: {  	v22 =	vld [tilespmem:s20+$0x6460]  }
0xf9: {  	v23 =	vld [tilespmem:s20+$0x6470];
	v12 =	vadd.f32 v19, v12  }
0xfa: {  	v19 =	vld [tilespmem:s20+$0x64A0];
	v15 =	vadd.f32 v20, v15  }
0xfb: {  	v20 =	vld [tilespmem:s20+$0x64B0];
	v14 =	vadd.f32 v18, v14;
	v12 =	vadd.f32 v17, v12  }
0xfc: {  	v17 =	vld [tilespmem:s20+$0x64E0];
	v13 =	vadd.f32 v21, v13;
	v15 =	vadd.f32 v16, v15  }
0xfd: {  	v16 =	vld [tilespmem:s20+$0x64F0];
	v14 =	vadd.f32 v22, v14;
	v11 =	vadd.f32 v11, v12  }
0xfe: {  	v12 =	vadd.f32 v23, v13;
	v13 =	vld [tilespmem:s20+$0x6520];
	v10 =	vadd.f32 v10, v15  }
0xff: {  	v15 =	vld [tilespmem:s20+$0x6530];
	v14 =	vadd.f32 v19, v14;
	v9 =	vadd.f32 v9, v11  }
0x100: {  	v11 =	vadd.f32 v20, v12;
	v12 =	vld [tilespmem:s20+$0x6560];
	v8 =	vadd.f32 v8, v10  }
0x101: {  	v10 =	vld [tilespmem:s20+$0x6570];
	v14 =	vadd.f32 v17, v14;
	v6 =	vadd.f32 v6, v9  }
0x102: {  	v9 =	vadd.f32 v16, v11;
	v11 =	vld [tilespmem:s20+$0x65A0];
	v7 =	vadd.f32 v7, v8  }
0x103: {  	v8 =	vld [tilespmem:s20+$0x65B0];
	v13 =	vadd.f32 v13, v14;
	v4 =	vadd.f32 v4, v6  }
0x104: {  	v6 =	vadd.f32 v15, v9;
	v9 =	vld [tilespmem:s20+$0x65E0];
	v5 =	vadd.f32 v5, v7  }
0x105: {  	v7 =	vld [tilespmem:s20+$0x65F0];
	v12 =	vadd.f32 v12, v13;
	v2 =	vadd.f32 v2, v4  }
0x106: {  	v4 =	vadd.f32 v10, v6;
	v3 =	vadd.f32 v3, v5  }
0x107: {  	v5 =	vadd.f32 v11, v12;
	v0 =	vadd.f32 v0, v2  }
0x108: {  	v2 =	vadd.f32 v8, v4;
	v1 =	vadd.f32 v1, v3  }
0x109: {  	v3 =	vadd.f32 v9, v5;
	[tilespmem:$0xE780] =	vst v0  }
0x10a: {  	v0 =	vadd.f32 v7, v2;
	[tilespmem:$0xE790] =	vst v1  }
0x10b: {  	[tilespmem:$0xE7A0] =	vst v3  }
0x10c: {  	[tilespmem:$0xE7B0] =	vst v0  }
0x10d: {  	_ =	swait.ge [sflag:s17], $0x1A00  }
0x10e: {  	[sflag:s17] =	ssyncset.done $0x0  }
0x10f: {  	[sflag:s17] =	ssyncadd.s32 $0xFFFFE600  }
0x110: {  	_ =	swait.ge [sflag:s17], $0x1800  }
0x111: {  	[sflag:s17] =	ssyncset.done $0x0  }
0x112: {  	s20 =	simm.s32 $0x0;
	[sflag:s17] =	ssyncadd.s32 $0xFFFFE800  }
0x113: {  	v0 =	vld [tilespmem:s20+$0x97C0]  }
0x114: {  	v1 =	vld [tilespmem:s20+$0x97D0]  }
0x115: {  	v2 =	vld [tilespmem:s20+$0x9780]  }
0x116: {  	v3 =	vld [tilespmem:s20+$0x9790]  }
0x117: {  	v4 =	vld [tilespmem:s20+$0x9740]  }
0x118: {  	v5 =	vld [tilespmem:s20+$0x9750]  }
0x119: {  	v6 =	vld [tilespmem:s20+$0x9700]  }
0x11a: {  	v7 =	vld [tilespmem:s20+$0x9710]  }
0x11b: {  	v9 =	vld [tilespmem:s20+$0x96C0]  }
0x11c: {  	v8 =	vld [tilespmem:s20+$0x96D0]  }
0x11d: {  	v11 =	vld [tilespmem:s20+$0x9680]  }
0x11e: {  	v10 =	vld [tilespmem:s20+$0x9690]  }
0x11f: {  	v17 =	vld [tilespmem:s20+$0x9640]  }
0x120: {  	v16 =	vld [tilespmem:s20+$0x9650]  }
0x121: {  	v19 =	vld [tilespmem:s20+$0x9600]  }
0x122: {  	v14 =	vimm.f32 $0.0e+00;
	v20 =	vld [tilespmem:s20+$0x9610]  }
0x123: {  	s21 =	simm.s32 $0x800;
	v15 =	vimm.f32 $0.0e+00;
	v13 =	vimm.f32 $0.0e+00;
	v12 =	vimm.f32 $0.0e+00;
	v18 =	vld [tilespmem:s20+$0x9620]  }
.LBB2_12:
0x124: {  	p0 =	sne.s32 s21, $0xC000;
	v21 =	vld [tilespmem:s20+$0x9630]  }
0x125: {  	v22 =	vld [tilespmem:s20+$0x9660]  }
0x126: {  	v23 =	vld [tilespmem:s20+$0x9670]  }
0x127: {  	v24 =	vld [tilespmem:s20+$0x96A0]  }
0x128: {  	v12 =	vadd.f32 v19, v12;
	v15 =	vadd.f32 v20, v15;
	v19 =	vld [tilespmem:s20+$0x96B0]  }
0x129: {  	v14 =	vadd.f32 v18, v14;
	v13 =	vadd.f32 v21, v13;
	v18 =	vld [tilespmem:s20+$0x96E0]  }
0x12a: {  	v12 =	vadd.f32 v17, v12;
	v15 =	vadd.f32 v16, v15;
	v16 =	vld [tilespmem:s20+$0x96F0]  }
0x12b: {  	v14 =	vadd.f32 v22, v14;
	v13 =	vadd.f32 v23, v13;
	v17 =	vld [tilespmem:s20+$0x9720]  }
0x12c: {  	v11 =	vadd.f32 v11, v12;
	v10 =	vadd.f32 v10, v15;
	v12 =	vld [tilespmem:s20+$0x9730]  }
0x12d: {  	v14 =	vadd.f32 v24, v14;
	v13 =	vadd.f32 v19, v13;
	v15 =	vld [tilespmem:s20+$0x9760]  }
0x12e: {  	v9 =	vadd.f32 v9, v11;
	v8 =	vadd.f32 v8, v10;
	v10 =	vld [tilespmem:s20+$0x9770]  }
0x12f: {  	v11 =	vadd.f32 v18, v14;
	v13 =	vadd.f32 v16, v13;
	v14 =	vld [tilespmem:s20+$0x97A0]  }
0x130: {  	v6 =	vadd.f32 v6, v9;
	v7 =	vadd.f32 v7, v8;
	v8 =	vld [tilespmem:s20+$0x97B0]  }
0x131: {  	v9 =	vadd.f32 v17, v11;
	v11 =	vadd.f32 v12, v13;
	v13 =	vld [tilespmem:s20+$0x97E0]  }
0x132: {  	v4 =	vadd.f32 v4, v6;
	v5 =	vadd.f32 v5, v7;
	v6 =	vld [tilespmem:s20+$0x97F0];
	s20 =	sshra.s32 s21, $0x2  }
0x133: {  	v9 =	vadd.f32 v15, v9;
	v7 =	vld [tilespmem:s20+$0x97C0];
	v10 =	vadd.f32 v10, v11  }
0x134: {  	v4 =	vadd.f32 v2, v4;
	v5 =	vadd.f32 v3, v5;
	v11 =	vld [tilespmem:s20+$0x97D0]  }
0x135: {  	v9 =	vadd.f32 v14, v9;
	v2 =	vld [tilespmem:s20+$0x9780];
	v8 =	vadd.f32 v8, v10  }
0x136: {  	v12 =	vadd.f32 v0, v4;
	v15 =	vadd.f32 v1, v5;
	v3 =	vld [tilespmem:s20+$0x9790]  }
0x137: {  	v14 =	vadd.f32 v13, v9;
	v4 =	vld [tilespmem:s20+$0x9740];
	v13 =	vadd.f32 v6, v8  }
0x138: {  	v5 =	vld [tilespmem:s20+$0x9750];
	v0 =	vmov v7  }
0x139: {  	v6 =	vld [tilespmem:s20+$0x9700];
	v1 =	vmov v11  }
0x13a: {  	v7 =	vld [tilespmem:s20+$0x9710]  }
0x13b: {  	v9 =	vld [tilespmem:s20+$0x96C0]  }
0x13c: {  	v8 =	vld [tilespmem:s20+$0x96D0]  }
0x13d: {  	v11 =	vld [tilespmem:s20+$0x9680]  }
0x13e: {  	v10 =	vld [tilespmem:s20+$0x9690]  }
.Ltmp5:
0x13f: {  	v17 =	vld [tilespmem:s20+$0x9640];
	(pc) =	sbr.rel @p0 .LBB2_12-.Ltmp5, $4  }
0x140: {  	v16 =	vld [tilespmem:s20+$0x9650]  }
0x141: {  	v19 =	vld [tilespmem:s20+$0x9600]  }
0x142: {  	v20 =	vld [tilespmem:s20+$0x9610]  }
0x143: {  	s21 =	sadd.s32 $0x800, s21;
	v18 =	vld [tilespmem:s20+$0x9620]  }
0x144: {  	v21 =	vld [tilespmem:s20+$0x9630]  }
0x145: {  	v22 =	vld [tilespmem:s20+$0x9660]  }
0x146: {  	v23 =	vld [tilespmem:s20+$0x9670];
	v12 =	vadd.f32 v19, v12  }
0x147: {  	v43 =	vld [tilespmem:s20+$0x96A0];
	v15 =	vadd.f32 v20, v15  }
0x148: {  	v44 =	vld [tilespmem:s20+$0x96B0];
	v14 =	vadd.f32 v18, v14;
	v12 =	vadd.f32 v17, v12  }
0x149: {  	v45 =	vld [tilespmem:s20+$0x96E0];
	v13 =	vadd.f32 v21, v13;
	v15 =	vadd.f32 v16, v15  }
0x14a: {  	v46 =	vld [tilespmem:s20+$0x96F0];
	v14 =	vadd.f32 v22, v14;
	v11 =	vadd.f32 v11, v12  }
0x14b: {  	v48 =	vld [tilespmem:s20+$0x9720];
	v47 =	vadd.f32 v23, v13;
	v10 =	vadd.f32 v10, v15  }
0x14c: {  	v49 =	vld [tilespmem:s20+$0x9730];
	v14 =	vadd.f32 v43, v14;
	v9 =	vadd.f32 v9, v11  }
0x14d: {  	v51 =	vld [tilespmem:s20+$0x9760];
	v50 =	vadd.f32 v44, v47;
	v8 =	vadd.f32 v8, v10  }
0x14e: {  	v52 =	vld [tilespmem:s20+$0x9770];
	v14 =	vadd.f32 v45, v14;
	v6 =	vadd.f32 v6, v9  }
0x14f: {  	v54 =	vld [tilespmem:s20+$0x97A0];
	v53 =	vadd.f32 v46, v50;
	v7 =	vadd.f32 v7, v8  }
0x150: {  	v55 =	vld [tilespmem:s20+$0x97B0];
	v13 =	vadd.f32 v48, v14;
	v4 =	vadd.f32 v4, v6  }
0x151: {  	v57 =	vld [tilespmem:s20+$0x97E0];
	v56 =	vadd.f32 v49, v53;
	v5 =	vadd.f32 v5, v7  }
0x152: {  	v58 =	vld [tilespmem:s20+$0x97F0];
	v12 =	vadd.f32 v51, v13;
	v2 =	vadd.f32 v2, v4  }
0x153: {  	v59 =	vadd.f32 v52, v56;
	v3 =	vadd.f32 v3, v5  }
0x154: {  	v60 =	vadd.f32 v54, v12;
	v0 =	vadd.f32 v0, v2  }
0x155: {  	v61 =	vadd.f32 v55, v59;
	v1 =	vadd.f32 v1, v3  }
0x156: {  	v62 =	vadd.f32 v57, v60;
	[tilespmem:$0xE7C0] =	vst v0  }
0x157: {  	s19 =	sadd.s32 $0x1, s19;
	v63 =	vadd.f32 v58, v61;
	[tilespmem:$0xE7D0] =	vst v1  }
0x158: {  	p0 =	sne.s32 s19, s6;
	[tilespmem:$0xE7E0] =	vst v62  }
.Ltmp6:
0x159: {  	[tilespmem:$0xE7F0] =	vst v63;
	(pc) =	sbr.rel @p0 .LBB2_1-.Ltmp6, $4  }
0x15a: {  	[hbm4b:s5+s2] =	stream.linear.scatter [tilespmem:s18], [sflag:$0x3], $0x2000, $0x38;
	[tilespmem:$0xE800] =	vst v63  }
0x15b: {  	_ =	swait.ge [sflag:s7], $0x2000  }
0x15c: {  	[sflag:s7] =	ssyncset.done $0x0  }
0x15d: {  	[sflag:s7] =	ssyncadd.s32 $0xFFFFE000  }
0x15e: {  	_ =	sfence.sel $0x180000  }
0x15f: {  	[bflag:$0x0] =	sbarrier.arrive $0xFFFF  }
0x160: {  	p0 =	sne.s32 s0, $0x0;
	_ =	strace $0x90000047  }
0x161: {  	s0 =	sadd.s32 @!p0 $0x100000, s1;
	[bflag:$0x2] =	sbarrier.arrive $0xFFFF  }
0x162: {  	[sflag:s0] =	ssyncadd.tile.s32 @!p0 $0x1;
	_ =	shalt  }
.Lfunc_end2:
_tile_overlayer_lowered:
.L_overlay_start_2:
0x163: {  	(tag) =	ssettag $0x2  }
0x164: {  	s0 =	rddreg [dreg:$0x0];
	s2 =	stileid.u32  }
0x165: {  	s1 =	rddreg [dreg:$0x1];
	p0 =	sne.s32 s2, $0x0  }
0x166: {  	s3 =	rddreg [dreg:$0x2];
	[bflag:$0x3] =	sbarrier.arrive $0xFFFF;
	s2 =	simm.s32 @!p0 $0x1C03  }
0x167: {  	[timem:s3], [sflag:s2] =	dma.local @!p0 [hbm:s0], s1  }
0x168: {  	s0 =	simm.s32 @!p0 $0x3  }
0x169: {  	_ =	swait.ge @!p0 [sflag:s0], s1  }
0x16a: {  	s1 =	ssub.s32 @!p0 $0x0, s1;
	[sflag:s0] =	ssyncset.done @!p0 $0x0  }
0x16b: {  	[sflag:s0] =	ssyncadd.s32 @!p0 s1  }
0x16c: {  	[bflag:$0x3] =	sbarrier.arrive $0xFFFF  }
0x16d: {  	_ =	shalt  }

</sc_bundles>
